<compile_context>
chip_gen: v7x
topology: tpu7x:2x2x1
jax: 0.10.2.dev20260603
libtpu: 0.0.44.dev20260713+nightly
codegen_flags: <defaults>
</compile_context>

<pallas_src>
import functools

import jax
import jax.numpy as jnp
from jax import lax
from jax.experimental import pallas as pl
from jax.experimental.pallas import tpu as pltpu
from jax.experimental.pallas import tpu_sc as plsc

BATCH = 16384
FIELDS = 26
FH = FIELDS // 2
D = 64
N_ROWS = BATCH * FIELDS
NH_ROWS = BATCH * FH
HALF_B = BATCH // 2
V = 1000000

SB = 16384
NSB_MAIN = V // SB
V_MAIN = NSB_MAIN * SB
TAIL = V - V_MAIN
PACK_ROWS = SB // 2
TAIL_PAIRS = TAIL // 2


def _pack_body(x_ref, tail_ref, o_ref):
    k = pl.program_id(0)

    @pl.when(k < NSB_MAIN)
    def _():
        x = x_ref[...]
        o_ref[...] = jnp.concatenate(
            [x[:, :PACK_ROWS], x[:, PACK_ROWS:]], axis=0
        ).T

    @pl.when(k == NSB_MAIN)
    def _():
        t = tail_ref[...]
        o_ref[pl.ds(0, TAIL_PAIRS), :] = jnp.concatenate(
            [t[:, :TAIL_PAIRS], t[:, TAIL_PAIRS:]], axis=0
        ).T


def _pack_table(w_emb_t, tail):
    return pl.pallas_call(
        _pack_body,
        grid=(NSB_MAIN + 1,),
        in_specs=[
            pl.BlockSpec((D, SB), lambda k: (0, jnp.minimum(k, NSB_MAIN - 1))),
            pl.BlockSpec((D, TAIL), lambda k: (0, 0)),
        ],
        out_specs=pl.BlockSpec((PACK_ROWS, 2 * D), lambda k: (k, 0)),
        out_shape=jax.ShapeDtypeStruct((V // 2, 2 * D), jnp.float32),
    )(w_emb_t, tail)


NC = 2
NS = 16
NW = NC * NS
BLOCK_PAIRS = 256
BLOCK_ROWS = 2 * BLOCK_PAIRS
NBLK_H = NH_ROWS // BLOCK_ROWS
BLK_PER_W = NBLK_H // NW
BLK_PER_F = BATCH // (2 * BLOCK_PAIRS)
CH = 128
NCH = BLOCK_ROWS // CH
IDS_R = BATCH // CH
IDR_B = BLOCK_PAIRS // CH

_sc_mesh = plsc.VectorSubcoreMesh(
    core_axis_name="c", subcore_axis_name="s", num_cores=NC, num_subcores=NS
)


def _make_sc_gather(fb):
    @functools.partial(
        pl.kernel,
        mesh=_sc_mesh,
        out_type=jax.ShapeDtypeStruct((NH_ROWS, D), jnp.float32),
        scratch_types=[
            pltpu.VMEM((IDR_B, CH), jnp.int32),
            pltpu.VMEM((IDR_B, CH), jnp.int32),
            pltpu.VMEM((BLOCK_ROWS,), jnp.int32),
            pltpu.VMEM((BLOCK_ROWS, D), jnp.float32),
            pltpu.SemaphoreType.DMA,
        ],
        compiler_params=pltpu.CompilerParams(
            use_tc_tiling_on_sc=False, needs_layout_passes=False
        ),
        name=f"sc_gather_{fb}",
    )
    def sc_gather(ids_hbm, table_hbm, out_hbm, lo_v, hi_v, ilv_v, rows_v, gsem):
        wid = lax.axis_index("s") * NC + lax.axis_index("c")
        iota = lax.iota(jnp.int32, 16)

        def block_body(k, carry):
            blk = wid + NW * k
            f = fb + blk // BLK_PER_F
            row0 = (blk % BLK_PER_F) * IDR_B
            pltpu.sync_copy(ids_hbm.at[f, pl.ds(row0, IDR_B)], lo_v)
            pltpu.sync_copy(ids_hbm.at[f, pl.ds(IDS_R // 2 + row0, IDR_B)], hi_v)
            for t in range(BLOCK_PAIRS // 16):
                pos = 2 * (16 * t + iota)
                plsc.store_scatter(
                    ilv_v, [pos], lo_v[t // 8, pl.ds((t % 8) * 16, 16)]
                )
                plsc.store_scatter(
                    ilv_v, [pos + 1], hi_v[t // 8, pl.ds((t % 8) * 16, 16)]
                )
            copies = [
                pltpu.async_copy(
                    table_hbm.at[ilv_v.at[pl.ds(j * CH, CH)]],
                    rows_v.at[pl.ds(j * CH, CH)],
                    gsem,
                )
                for j in range(NCH)
            ]
            for c in copies:
                c.wait()
            pltpu.sync_copy(
                rows_v, out_hbm.at[pl.ds(blk * BLOCK_ROWS, BLOCK_ROWS)]
            )
            return carry

        lax.fori_loop(0, BLK_PER_W, block_body, 0)

    return sc_gather


_sc_gather_0 = _make_sc_gather(0)
_sc_gather_1 = _make_sc_gather(FH)

_SQRT_HALF = 0.7071067811865476


def _mlp_body(x_ref, w1l_ref, w1r_ref, b1_ref, w2_ref, b2c_ref, o_ref):
    x = x_ref[...]
    b1 = b1_ref[...]
    b2c = b2c_ref[...]
    w2 = w2_ref[...]
    for half, w1_ref in ((0, w1l_ref), (1, w1r_ref)):
        h = jnp.dot(x, w1_ref[...], preferred_element_type=jnp.float32) + b1
        h = h * 0.5 * (1.0 + lax.erf(h * _SQRT_HALF))
        y = lax.dot_general(
            w2, h, (((1,), (1,)), ((), ())), preferred_element_type=jnp.float32
        )
        o_ref[0, :, pl.ds(half * HALF_B, HALF_B)] = y + b2c


def _mlp_body_alias(y_ref, *rest):
    del y_ref
    _mlp_body(*rest)


_MLP_SPECS = [
    pl.BlockSpec((HALF_B, 2 * D), lambda f: (f, 0)),
    pl.BlockSpec((2 * D, D), lambda f: (0, 0)),
    pl.BlockSpec((2 * D, D), lambda f: (0, 0)),
    pl.BlockSpec((1, D), lambda f: (0, 0)),
    pl.BlockSpec((D, D), lambda f: (0, 0)),
    pl.BlockSpec((D, 1), lambda f: (0, 0)),
]


def _mlp_first(staging128, w1l, w1r, b1, w2, b2c):
    return pl.pallas_call(
        _mlp_body,
        grid=(FH,),
        in_specs=_MLP_SPECS,
        out_specs=pl.BlockSpec((1, D, BATCH), lambda f: (f, 0, 0)),
        out_shape=jax.ShapeDtypeStruct((FIELDS, D, BATCH), jnp.float32),
        name="mlp_0",
    )(staging128, w1l, w1r, b1, w2, b2c)


def _mlp_second(y_prev, staging128, w1l, w1r, b1, w2, b2c):
    return pl.pallas_call(
        _mlp_body_alias,
        grid=(FH,),
        in_specs=[pl.BlockSpec(memory_space=pl.ANY)] + _MLP_SPECS,
        out_specs=pl.BlockSpec((1, D, BATCH), lambda f: (f + FH, 0, 0)),
        out_shape=jax.ShapeDtypeStruct((FIELDS, D, BATCH), jnp.float32),
        input_output_aliases={0: 0},
        name="mlp_1",
    )(y_prev, staging128, w1l, w1r, b1, w2, b2c)


def kernel(action_ids, W_emb, W1, b1, W2, b2):
    wt = W_emb.T
    tlin = _pack_table(wt, wt[:, V_MAIN:]).reshape(V, D)
    j = action_ids.T
    o = j % SB
    jj_main = 2 * (PACK_ROWS * (j // SB) + o % PACK_ROWS) + o // PACK_ROWS
    ot = j - V_MAIN
    jj_tail = 2 * (V_MAIN // 2 + ot % TAIL_PAIRS) + ot // TAIL_PAIRS
    jj = jnp.where(j < V_MAIN, jj_main, jj_tail)
    ids3 = jj.reshape(FIELDS, IDS_R, CH)
    w1t = W1.T
    zeros = jnp.zeros((D, D), jnp.float32)
    w1l = jnp.concatenate([w1t, zeros], axis=0)
    w1r = jnp.concatenate([zeros, w1t], axis=0)
    b1r = b1.reshape(1, D)
    b2c = b2.reshape(D, 1)
    staging_0 = _sc_gather_0(ids3, tlin)
    y0 = _mlp_first(
        staging_0.reshape(NH_ROWS // 2, 2 * D), w1l, w1r, b1r, W2, b2c
    )
    staging_1 = _sc_gather_1(ids3, tlin)
    y1 = _mlp_second(
        y0, staging_1.reshape(NH_ROWS // 2, 2 * D), w1l, w1r, b1r, W2, b2c
    )
    return y1.transpose(2, 0, 1)

# --- scband reference (transcript-rebuilt; emitter-appended) ---
"""Pipeline reference for scband-simple-action-encoder-17600775979236 (READ-ONLY COPY).

The authoritative reference and input builder live on the scoring server;
editing this copy changes nothing except your own understanding.
"""

import jax, jax.numpy as jnp
import numpy as np

NUM_ACTIONS = 1000000
EMBED_DIM = 64
BATCH = 16384
FIELDS = 26

def setup_inputs(seed: int = 0) -> dict:
    key = jax.random.key(seed)
    k_idx, k_emb, k_w1, k_b1, k_w2, k_b2 = jax.random.split(key, 6)
    action_ids = jax.random.randint(k_idx, (BATCH, FIELDS), 0, NUM_ACTIONS, dtype=jnp.int64 if jax.config.jax_enable_x64 else jnp.int32).astype(jnp.int32)
    # nn.Embedding default init: N(0,1)
    W_emb = jax.random.normal(k_emb, (NUM_ACTIONS, EMBED_DIM), dtype=jnp.float32)
    # nn.Linear default init: U(-1/sqrt(fan_in), 1/sqrt(fan_in)); weight shape [out, in]
    bound = 1.0 / np.sqrt(EMBED_DIM)
    W1 = jax.random.uniform(k_w1, (EMBED_DIM, EMBED_DIM), minval=-bound, maxval=bound, dtype=jnp.float32)
    b1 = jax.random.uniform(k_b1, (EMBED_DIM,), minval=-bound, maxval=bound, dtype=jnp.float32)
    W2 = jax.random.uniform(k_w2, (EMBED_DIM, EMBED_DIM), minval=-bound, maxval=bound, dtype=jnp.float32)
    b2 = jax.random.uniform(k_b2, (EMBED_DIM,), minval=-bound, maxval=bound, dtype=jnp.float32)
    return {"action_ids": action_ids, "W_emb": W_emb, "W1": W1, "b1": b1, "W2": W2, "b2": b2}

def reference(action_ids, W_emb, W1, b1, W2, b2):
    # embedding lookup (gather)
    embed = jnp.take(W_emb, action_ids, axis=0)  # [B, F, D]
    # MLP: Linear -> GELU (exact, erf-based as in torch default) -> Linear
    h = embed @ W1.T + b1
    h = jax.nn.gelu(h, approximate=False)
    out = h @ W2.T + b2
    return out

if __name__ == "__main__":
    import jax
    _d = setup_inputs()
    print(jax.jit(kernel)(*tuple(_d.values())))

</pallas_src>

<mosaic_0001>
#map = affine_map<(d0, d1) -> (0, 0, 0)>
#map1 = affine_map<(d0, d1) -> (0, 0)>
module attributes {stable_mosaic.version = 14 : i64} {
  func.func @sc_gather_13(%arg0: i32, %arg1: i32, %arg2: memref<26x128x128xi32, #tpu.memory_space<hbm>>, %arg3: memref<1000000x64xf32, #tpu.memory_space<hbm>>, %arg4: memref<212992x64xf32, #tpu.memory_space<hbm>>, %arg5: memref<2x128xi32, #tpu.memory_space<vmem>>, %arg6: memref<2x128xi32, #tpu.memory_space<vmem>>, %arg7: memref<512xi32, #tpu.memory_space<vmem>>, %arg8: memref<512x64xf32, #tpu.memory_space<vmem>>, %arg9: memref<!tpu.dma_semaphore, #tpu.memory_space<semaphore_mem>>) attributes {dimension_semantics = [#tpu.dimension_semantics<core_parallel>, #tpu.dimension_semantics<subcore_parallel>], iteration_bounds = array<i64: 2, 16>, scalar_prefetch = 0 : i64, scratch_operands = 5 : i64, tpu.core_type = #tpu.core_type<sc_vector_subcore>, window_params = [{transform_indices = #map}, {transform_indices = #map1}, {transform_indices = #map1}]} {
    %mul3A = arith.constant 2 : i32
    %mul3A_0 = arith.muli %arg1, %mul3A : i32
    %add3A = arith.addi %mul3A_0, %arg0 : i32
    %iota3A = tpu.iota {dimensions = array<i32: 0>} : vector<16xi32>
    %scan3A = arith.constant 0 : i32
    %scan3A_1 = arith.constant 0 : i32
    %scan3A_2 = arith.constant 13 : i32
    %scan3A_3 = arith.addi %scan3A_1, %scan3A_2 : i32
    %scan3A_4 = arith.constant 1 : i32
    scf.for %scan3A_6 = %scan3A_1 to %scan3A_3 step %scan3A_4  : i32 {
      %mul3A_7 = arith.constant 32 : i32
      %mul3A_8 = arith.muli %mul3A_7, %scan3A_6 : i32
      %add3A_9 = arith.addi %add3A, %mul3A_8 : i32
      %jit3A = arith.constant 32 : i32
      %div3A = arith.divsi %add3A_9, %jit3A : i32
      %sign3A = arith.constant 0 : i32
      %sign3A_10 = arith.cmpi sgt, %add3A_9, %sign3A : i32
      %sign3A_11 = arith.extui %sign3A_10 : i1 to i32
      %sign3A_12 = arith.constant 0 : i32
      %sign3A_13 = arith.cmpi slt, %add3A_9, %sign3A_12 : i32
      %sign3A_14 = arith.extui %sign3A_13 : i1 to i32
      %sign3A_15 = arith.subi %sign3A_11, %sign3A_14 : i32
      %sign3A_16 = arith.constant 0 : i32
      %sign3A_17 = arith.cmpi sgt, %jit3A, %sign3A_16 : i32
      %sign3A_18 = arith.extui %sign3A_17 : i1 to i32
      %sign3A_19 = arith.constant 0 : i32
      %sign3A_20 = arith.cmpi slt, %jit3A, %sign3A_19 : i32
      %sign3A_21 = arith.extui %sign3A_20 : i1 to i32
      %sign3A_22 = arith.subi %sign3A_18, %sign3A_21 : i32
      %ne3A = arith.cmpi ne, %sign3A_15, %sign3A_22 : i32
      %rem3A = arith.remsi %add3A_9, %jit3A : i32
      %ne3A_23 = arith.constant 0 : i32
      %ne3A_24 = arith.cmpi ne, %rem3A, %ne3A_23 : i32
      %and3A = arith.andi %ne3A, %ne3A_24 : i1
      %sub3A = arith.constant 1 : i32
      %sub3A_25 = arith.subi %div3A, %sub3A : i32
      %select_n3A = arith.select %and3A, %sub3A_25, %div3A : i32
      %add3A_26 = arith.constant 13 : i32
      %add3A_27 = arith.addi %add3A_26, %select_n3A : i32
      %jit3A_28 = arith.constant 32 : i32
      %eq3A = arith.constant 0 : i32
      %eq3A_29 = arith.cmpi eq, %jit3A_28, %eq3A : i32
      %jit3A_30 = arith.constant 1 : i32
      %select_n3A_31 = arith.select %eq3A_29, %jit3A_30, %jit3A_28 : i32
      %rem3A_32 = arith.remsi %add3A_9, %select_n3A_31 : i32
      %ne3A_33 = arith.constant 0 : i32
      %ne3A_34 = arith.cmpi ne, %rem3A_32, %ne3A_33 : i32
      %lt3A = arith.constant 0 : i32
      %lt3A_35 = arith.cmpi slt, %rem3A_32, %lt3A : i32
      %lt3A_36 = arith.constant 0 : i32
      %lt3A_37 = arith.cmpi slt, %select_n3A_31, %lt3A_36 : i32
      %ne3A_38 = arith.xori %lt3A_35, %lt3A_37 : i1
      %and3A_39 = arith.andi %ne3A_38, %ne3A_34 : i1
      %add3A_40 = arith.addi %rem3A_32, %select_n3A_31 : i32
      %select_n3A_41 = arith.select %and3A_39, %add3A_40, %rem3A_32 : i32
      %mul3A_42 = arith.constant 2 : i32
      %mul3A_43 = arith.muli %select_n3A_41, %mul3A_42 : i32
      "tpu.region"() ({
        %run_scoped3A = tpu.sem_alloc : memref<!tpu.dma_semaphore, #tpu.memory_space<semaphore_mem>>
        %dma_start3A_381 = arith.constant 0 : i32
        %dma_start3A_382 = tpu.memref_slice %arg2[%add3A_27, %mul3A_43, %dma_start3A_381] : memref<26x128x128xi32, #tpu.memory_space<hbm>> -> memref<1x2x128xi32, #tpu.memory_space<hbm>>
        %dma_start3A_383 = tpu.memref_squeeze %dma_start3A_382 : memref<1x2x128xi32, #tpu.memory_space<hbm>> -> memref<2x128xi32, #tpu.memory_space<hbm>>
        %dma_start3A_384 = arith.constant 0 : i32
        %dma_start3A_385 = tpu.memref_slice %arg2[%add3A_27, %mul3A_43, %dma_start3A_384] : memref<26x128x128xi32, #tpu.memory_space<hbm>> -> memref<1x2x128xi32, #tpu.memory_space<hbm>>
        %dma_start3A_386 = tpu.memref_squeeze %dma_start3A_385 : memref<1x2x128xi32, #tpu.memory_space<hbm>> -> memref<2x128xi32, #tpu.memory_space<hbm>>
        tpu.enqueue_dma source(%dma_start3A_386 : memref<2x128xi32, #tpu.memory_space<hbm>>) target(%arg5 : memref<2x128xi32, #tpu.memory_space<vmem>>) target_semaphore(%run_scoped3A : memref<!tpu.dma_semaphore, #tpu.memory_space<semaphore_mem>>)
        %dma_wait3A_387 = arith.constant 0 : i32
        %dma_wait3A_388 = tpu.memref_slice %arg2[%add3A_27, %mul3A_43, %dma_wait3A_387] : memref<26x128x128xi32, #tpu.memory_space<hbm>> -> memref<1x2x128xi32, #tpu.memory_space<hbm>>
        %dma_wait3A_389 = tpu.memref_squeeze %dma_wait3A_388 : memref<1x2x128xi32, #tpu.memory_space<hbm>> -> memref<2x128xi32, #tpu.memory_space<hbm>>
        %dma_wait3A_390 = arith.constant 0 : i32
        %dma_wait3A_391 = tpu.memref_slice %arg2[%add3A_27, %mul3A_43, %dma_wait3A_390] : memref<26x128x128xi32, #tpu.memory_space<hbm>> -> memref<1x2x128xi32, #tpu.memory_space<hbm>>
        %dma_wait3A_392 = tpu.memref_squeeze %dma_wait3A_391 : memref<1x2x128xi32, #tpu.memory_space<hbm>> -> memref<2x128xi32, #tpu.memory_space<hbm>>
        tpu.wait_dma2 semaphore(%run_scoped3A : memref<!tpu.dma_semaphore, #tpu.memory_space<semaphore_mem>>) src(%dma_wait3A_392 : memref<2x128xi32, #tpu.memory_space<hbm>>) dst(%arg5 : memref<2x128xi32, #tpu.memory_space<vmem>>)
        tpu.yield
      }) : () -> ()
      %add3A_44 = arith.constant 64 : i32
      %add3A_45 = arith.addi %add3A_44, %mul3A_43 : i32
      "tpu.region"() ({
        %run_scoped3A = tpu.sem_alloc : memref<!tpu.dma_semaphore, #tpu.memory_space<semaphore_mem>>
        %dma_start3A_381 = arith.constant 0 : i32
        %dma_start3A_382 = tpu.memref_slice %arg2[%add3A_27, %add3A_45, %dma_start3A_381] : memref<26x128x128xi32, #tpu.memory_space<hbm>> -> memref<1x2x128xi32, #tpu.memory_space<hbm>>
        %dma_start3A_383 = tpu.memref_squeeze %dma_start3A_382 : memref<1x2x128xi32, #tpu.memory_space<hbm>> -> memref<2x128xi32, #tpu.memory_space<hbm>>
        %dma_start3A_384 = arith.constant 0 : i32
        %dma_start3A_385 = tpu.memref_slice %arg2[%add3A_27, %add3A_45, %dma_start3A_384] : memref<26x128x128xi32, #tpu.memory_space<hbm>> -> memref<1x2x128xi32, #tpu.memory_space<hbm>>
        %dma_start3A_386 = tpu.memref_squeeze %dma_start3A_385 : memref<1x2x128xi32, #tpu.memory_space<hbm>> -> memref<2x128xi32, #tpu.memory_space<hbm>>
        tpu.enqueue_dma source(%dma_start3A_386 : memref<2x128xi32, #tpu.memory_space<hbm>>) target(%arg6 : memref<2x128xi32, #tpu.memory_space<vmem>>) target_semaphore(%run_scoped3A : memref<!tpu.dma_semaphore, #tpu.memory_space<semaphore_mem>>)
        %dma_wait3A_387 = arith.constant 0 : i32
        %dma_wait3A_388 = tpu.memref_slice %arg2[%add3A_27, %add3A_45, %dma_wait3A_387] : memref<26x128x128xi32, #tpu.memory_space<hbm>> -> memref<1x2x128xi32, #tpu.memory_space<hbm>>
        %dma_wait3A_389 = tpu.memref_squeeze %dma_wait3A_388 : memref<1x2x128xi32, #tpu.memory_space<hbm>> -> memref<2x128xi32, #tpu.memory_space<hbm>>
        %dma_wait3A_390 = arith.constant 0 : i32
        %dma_wait3A_391 = tpu.memref_slice %arg2[%add3A_27, %add3A_45, %dma_wait3A_390] : memref<26x128x128xi32, #tpu.memory_space<hbm>> -> memref<1x2x128xi32, #tpu.memory_space<hbm>>
        %dma_wait3A_392 = tpu.memref_squeeze %dma_wait3A_391 : memref<1x2x128xi32, #tpu.memory_space<hbm>> -> memref<2x128xi32, #tpu.memory_space<hbm>>
        tpu.wait_dma2 semaphore(%run_scoped3A : memref<!tpu.dma_semaphore, #tpu.memory_space<semaphore_mem>>) src(%dma_wait3A_392 : memref<2x128xi32, #tpu.memory_space<hbm>>) dst(%arg6 : memref<2x128xi32, #tpu.memory_space<vmem>>)
        tpu.yield
      }) : () -> ()
      %add3A_46 = arith.constant 0 : i32
      %add3A_47 = vector.broadcast %add3A_46 : i32 to vector<16xi32>
      %add3A_48 = arith.addi %add3A_47, %iota3A : vector<16xi32>
      %mul3A_49 = arith.constant 2 : i32
      %mul3A_50 = vector.broadcast %mul3A_49 : i32 to vector<16xi32>
      %mul3A_51 = arith.muli %mul3A_50, %add3A_48 : vector<16xi32>
      %get3A = arith.constant 0 : i32
      %get3A_52 = arith.index_cast %get3A : i32 to index
      %get3A_53 = arith.constant 0 : index
      %get3A_54 = tpu.vector_load %arg5[%get3A_52, %get3A_53] {strides = array<i32>} : memref<2x128xi32, #tpu.memory_space<vmem>>, vector<16xi32>,
      tpu.vector_store_idx %arg7[%mul3A_51], %get3A_54 : memref<512xi32, #tpu.memory_space<vmem>>[vector<16xi32>], vector<16xi32>,
      %add3A_55 = arith.constant 1 : i32
      %add3A_56 = vector.broadcast %add3A_55 : i32 to vector<16xi32>
      %add3A_57 = arith.addi %mul3A_51, %add3A_56 : vector<16xi32>
      %get3A_58 = arith.constant 0 : i32
      %get3A_59 = arith.index_cast %get3A_58 : i32 to index
      %get3A_60 = arith.constant 0 : index
      %get3A_61 = tpu.vector_load %arg6[%get3A_59, %get3A_60] {strides = array<i32>} : memref<2x128xi32, #tpu.memory_space<vmem>>, vector<16xi32>,
      tpu.vector_store_idx %arg7[%add3A_57], %get3A_61 : memref<512xi32, #tpu.memory_space<vmem>>[vector<16xi32>], vector<16xi32>,
      %add3A_62 = arith.constant 16 : i32
      %add3A_63 = vector.broadcast %add3A_62 : i32 to vector<16xi32>
      %add3A_64 = arith.addi %add3A_63, %iota3A : vector<16xi32>
      %mul3A_65 = arith.constant 2 : i32
      %mul3A_66 = vector.broadcast %mul3A_65 : i32 to vector<16xi32>
      %mul3A_67 = arith.muli %mul3A_66, %add3A_64 : vector<16xi32>
      %get3A_68 = arith.constant 0 : i32
      %get3A_69 = arith.index_cast %get3A_68 : i32 to index
      %get3A_70 = arith.constant 16 : index
      %get3A_71 = tpu.vector_load %arg5[%get3A_69, %get3A_70] {strides = array<i32>} : memref<2x128xi32, #tpu.memory_space<vmem>>, vector<16xi32>,
      tpu.vector_store_idx %arg7[%mul3A_67], %get3A_71 : memref<512xi32, #tpu.memory_space<vmem>>[vector<16xi32>], vector<16xi32>,
      %add3A_72 = arith.constant 1 : i32
      %add3A_73 = vector.broadcast %add3A_72 : i32 to vector<16xi32>
      %add3A_74 = arith.addi %mul3A_67, %add3A_73 : vector<16xi32>
      %get3A_75 = arith.constant 0 : i32
      %get3A_76 = arith.index_cast %get3A_75 : i32 to index
      %get3A_77 = arith.constant 16 : index
      %get3A_78 = tpu.vector_load %arg6[%get3A_76, %get3A_77] {strides = array<i32>} : memref<2x128xi32, #tpu.memory_space<vmem>>, vector<16xi32>,
      tpu.vector_store_idx %arg7[%add3A_74], %get3A_78 : memref<512xi32, #tpu.memory_space<vmem>>[vector<16xi32>], vector<16xi32>,
      %add3A_79 = arith.constant 32 : i32
      %add3A_80 = vector.broadcast %add3A_79 : i32 to vector<16xi32>
      %add3A_81 = arith.addi %add3A_80, %iota3A : vector<16xi32>
      %mul3A_82 = arith.constant 2 : i32
      %mul3A_83 = vector.broadcast %mul3A_82 : i32 to vector<16xi32>
      %mul3A_84 = arith.muli %mul3A_83, %add3A_81 : vector<16xi32>
      %get3A_85 = arith.constant 0 : i32
      %get3A_86 = arith.index_cast %get3A_85 : i32 to index
      %get3A_87 = arith.constant 32 : index
      %get3A_88 = tpu.vector_load %arg5[%get3A_86, %get3A_87] {strides = array<i32>} : memref<2x128xi32, #tpu.memory_space<vmem>>, vector<16xi32>,
      tpu.vector_store_idx %arg7[%mul3A_84], %get3A_88 : memref<512xi32, #tpu.memory_space<vmem>>[vector<16xi32>], vector<16xi32>,
      %add3A_89 = arith.constant 1 : i32
      %add3A_90 = vector.broadcast %add3A_89 : i32 to vector<16xi32>
      %add3A_91 = arith.addi %mul3A_84, %add3A_90 : vector<16xi32>
      %get3A_92 = arith.constant 0 : i32
      %get3A_93 = arith.index_cast %get3A_92 : i32 to index
      %get3A_94 = arith.constant 32 : index
      %get3A_95 = tpu.vector_load %arg6[%get3A_93, %get3A_94] {strides = array<i32>} : memref<2x128xi32, #tpu.memory_space<vmem>>, vector<16xi32>,
      tpu.vector_store_idx %arg7[%add3A_91], %get3A_95 : memref<512xi32, #tpu.memory_space<vmem>>[vector<16xi32>], vector<16xi32>,
      %add3A_96 = arith.constant 48 : i32
      %add3A_97 = vector.broadcast %add3A_96 : i32 to vector<16xi32>
      %add3A_98 = arith.addi %add3A_97, %iota3A : vector<16xi32>
      %mul3A_99 = arith.constant 2 : i32
      %mul3A_100 = vector.broadcast %mul3A_99 : i32 to vector<16xi32>
      %mul3A_101 = arith.muli %mul3A_100, %add3A_98 : vector<16xi32>
      %get3A_102 = arith.constant 0 : i32
      %get3A_103 = arith.index_cast %get3A_102 : i32 to index
      %get3A_104 = arith.constant 48 : index
      %get3A_105 = tpu.vector_load %arg5[%get3A_103, %get3A_104] {strides = array<i32>} : memref<2x128xi32, #tpu.memory_space<vmem>>, vector<16xi32>,
      tpu.vector_store_idx %arg7[%mul3A_101], %get3A_105 : memref<512xi32, #tpu.memory_space<vmem>>[vector<16xi32>], vector<16xi32>,
      %add3A_106 = arith.constant 1 : i32
      %add3A_107 = vector.broadcast %add3A_106 : i32 to vector<16xi32>
      %add3A_108 = arith.addi %mul3A_101, %add3A_107 : vector<16xi32>
      %get3A_109 = arith.constant 0 : i32
      %get3A_110 = arith.index_cast %get3A_109 : i32 to index
      %get3A_111 = arith.constant 48 : index
      %get3A_112 = tpu.vector_load %arg6[%get3A_110, %get3A_111] {strides = array<i32>} : memref<2x128xi32, #tpu.memory_space<vmem>>, vector<16xi32>,
      tpu.vector_store_idx %arg7[%add3A_108], %get3A_112 : memref<512xi32, #tpu.memory_space<vmem>>[vector<16xi32>], vector<16xi32>,
      %add3A_113 = arith.constant 64 : i32
      %add3A_114 = vector.broadcast %add3A_113 : i32 to vector<16xi32>
      %add3A_115 = arith.addi %add3A_114, %iota3A : vector<16xi32>
      %mul3A_116 = arith.constant 2 : i32
      %mul3A_117 = vector.broadcast %mul3A_116 : i32 to vector<16xi32>
      %mul3A_118 = arith.muli %mul3A_117, %add3A_115 : vector<16xi32>
      %get3A_119 = arith.constant 0 : i32
      %get3A_120 = arith.index_cast %get3A_119 : i32 to index
      %get3A_121 = arith.constant 64 : index
      %get3A_122 = tpu.vector_load %arg5[%get3A_120, %get3A_121] {strides = array<i32>} : memref<2x128xi32, #tpu.memory_space<vmem>>, vector<16xi32>,
      tpu.vector_store_idx %arg7[%mul3A_118], %get3A_122 : memref<512xi32, #tpu.memory_space<vmem>>[vector<16xi32>], vector<16xi32>,
      %add3A_123 = arith.constant 1 : i32
      %add3A_124 = vector.broadcast %add3A_123 : i32 to vector<16xi32>
      %add3A_125 = arith.addi %mul3A_118, %add3A_124 : vector<16xi32>
      %get3A_126 = arith.constant 0 : i32
      %get3A_127 = arith.index_cast %get3A_126 : i32 to index
      %get3A_128 = arith.constant 64 : index
      %get3A_129 = tpu.vector_load %arg6[%get3A_127, %get3A_128] {strides = array<i32>} : memref<2x128xi32, #tpu.memory_space<vmem>>, vector<16xi32>,
      tpu.vector_store_idx %arg7[%add3A_125], %get3A_129 : memref<512xi32, #tpu.memory_space<vmem>>[vector<16xi32>], vector<16xi32>,
      %add3A_130 = arith.constant 80 : i32
      %add3A_131 = vector.broadcast %add3A_130 : i32 to vector<16xi32>
      %add3A_132 = arith.addi %add3A_131, %iota3A : vector<16xi32>
      %mul3A_133 = arith.constant 2 : i32
      %mul3A_134 = vector.broadcast %mul3A_133 : i32 to vector<16xi32>
      %mul3A_135 = arith.muli %mul3A_134, %add3A_132 : vector<16xi32>
      %get3A_136 = arith.constant 0 : i32
      %get3A_137 = arith.index_cast %get3A_136 : i32 to index
      %get3A_138 = arith.constant 80 : index
      %get3A_139 = tpu.vector_load %arg5[%get3A_137, %get3A_138] {strides = array<i32>} : memref<2x128xi32, #tpu.memory_space<vmem>>, vector<16xi32>,
      tpu.vector_store_idx %arg7[%mul3A_135], %get3A_139 : memref<512xi32, #tpu.memory_space<vmem>>[vector<16xi32>], vector<16xi32>,
      %add3A_140 = arith.constant 1 : i32
      %add3A_141 = vector.broadcast %add3A_140 : i32 to vector<16xi32>
      %add3A_142 = arith.addi %mul3A_135, %add3A_141 : vector<16xi32>
      %get3A_143 = arith.constant 0 : i32
      %get3A_144 = arith.index_cast %get3A_143 : i32 to index
      %get3A_145 = arith.constant 80 : index
      %get3A_146 = tpu.vector_load %arg6[%get3A_144, %get3A_145] {strides = array<i32>} : memref<2x128xi32, #tpu.memory_space<vmem>>, vector<16xi32>,
      tpu.vector_store_idx %arg7[%add3A_142], %get3A_146 : memref<512xi32, #tpu.memory_space<vmem>>[vector<16xi32>], vector<16xi32>,
      %add3A_147 = arith.constant 96 : i32
      %add3A_148 = vector.broadcast %add3A_147 : i32 to vector<16xi32>
      %add3A_149 = arith.addi %add3A_148, %iota3A : vector<16xi32>
      %mul3A_150 = arith.constant 2 : i32
      %mul3A_151 = vector.broadcast %mul3A_150 : i32 to vector<16xi32>
      %mul3A_152 = arith.muli %mul3A_151, %add3A_149 : vector<16xi32>
      %get3A_153 = arith.constant 0 : i32
      %get3A_154 = arith.index_cast %get3A_153 : i32 to index
      %get3A_155 = arith.constant 96 : index
      %get3A_156 = tpu.vector_load %arg5[%get3A_154, %get3A_155] {strides = array<i32>} : memref<2x128xi32, #tpu.memory_space<vmem>>, vector<16xi32>,
      tpu.vector_store_idx %arg7[%mul3A_152], %get3A_156 : memref<512xi32, #tpu.memory_space<vmem>>[vector<16xi32>], vector<16xi32>,
      %add3A_157 = arith.constant 1 : i32
      %add3A_158 = vector.broadcast %add3A_157 : i32 to vector<16xi32>
      %add3A_159 = arith.addi %mul3A_152, %add3A_158 : vector<16xi32>
      %get3A_160 = arith.constant 0 : i32
      %get3A_161 = arith.index_cast %get3A_160 : i32 to index
      %get3A_162 = arith.constant 96 : index
      %get3A_163 = tpu.vector_load %arg6[%get3A_161, %get3A_162] {strides = array<i32>} : memref<2x128xi32, #tpu.memory_space<vmem>>, vector<16xi32>,
      tpu.vector_store_idx %arg7[%add3A_159], %get3A_163 : memref<512xi32, #tpu.memory_space<vmem>>[vector<16xi32>], vector<16xi32>,
      %add3A_164 = arith.constant 112 : i32
      %add3A_165 = vector.broadcast %add3A_164 : i32 to vector<16xi32>
      %add3A_166 = arith.addi %add3A_165, %iota3A : vector<16xi32>
      %mul3A_167 = arith.constant 2 : i32
      %mul3A_168 = vector.broadcast %mul3A_167 : i32 to vector<16xi32>
      %mul3A_169 = arith.muli %mul3A_168, %add3A_166 : vector<16xi32>
      %get3A_170 = arith.constant 0 : i32
      %get3A_171 = arith.index_cast %get3A_170 : i32 to index
      %get3A_172 = arith.constant 112 : index
      %get3A_173 = tpu.vector_load %arg5[%get3A_171, %get3A_172] {strides = array<i32>} : memref<2x128xi32, #tpu.memory_space<vmem>>, vector<16xi32>,
      tpu.vector_store_idx %arg7[%mul3A_169], %get3A_173 : memref<512xi32, #tpu.memory_space<vmem>>[vector<16xi32>], vector<16xi32>,
      %add3A_174 = arith.constant 1 : i32
      %add3A_175 = vector.broadcast %add3A_174 : i32 to vector<16xi32>
      %add3A_176 = arith.addi %mul3A_169, %add3A_175 : vector<16xi32>
      %get3A_177 = arith.constant 0 : i32
      %get3A_178 = arith.index_cast %get3A_177 : i32 to index
      %get3A_179 = arith.constant 112 : index
      %get3A_180 = tpu.vector_load %arg6[%get3A_178, %get3A_179] {strides = array<i32>} : memref<2x128xi32, #tpu.memory_space<vmem>>, vector<16xi32>,
      tpu.vector_store_idx %arg7[%add3A_176], %get3A_180 : memref<512xi32, #tpu.memory_space<vmem>>[vector<16xi32>], vector<16xi32>,
      %add3A_181 = arith.constant 128 : i32
      %add3A_182 = vector.broadcast %add3A_181 : i32 to vector<16xi32>
      %add3A_183 = arith.addi %add3A_182, %iota3A : vector<16xi32>
      %mul3A_184 = arith.constant 2 : i32
      %mul3A_185 = vector.broadcast %mul3A_184 : i32 to vector<16xi32>
      %mul3A_186 = arith.muli %mul3A_185, %add3A_183 : vector<16xi32>
      %get3A_187 = arith.constant 1 : i32
      %get3A_188 = arith.index_cast %get3A_187 : i32 to index
      %get3A_189 = arith.constant 0 : index
      %get3A_190 = tpu.vector_load %arg5[%get3A_188, %get3A_189] {strides = array<i32>} : memref<2x128xi32, #tpu.memory_space<vmem>>, vector<16xi32>,
      tpu.vector_store_idx %arg7[%mul3A_186], %get3A_190 : memref<512xi32, #tpu.memory_space<vmem>>[vector<16xi32>], vector<16xi32>,
      %add3A_191 = arith.constant 1 : i32
      %add3A_192 = vector.broadcast %add3A_191 : i32 to vector<16xi32>
      %add3A_193 = arith.addi %mul3A_186, %add3A_192 : vector<16xi32>
      %get3A_194 = arith.constant 1 : i32
      %get3A_195 = arith.index_cast %get3A_194 : i32 to index
      %get3A_196 = arith.constant 0 : index
      %get3A_197 = tpu.vector_load %arg6[%get3A_195, %get3A_196] {strides = array<i32>} : memref<2x128xi32, #tpu.memory_space<vmem>>, vector<16xi32>,
      tpu.vector_store_idx %arg7[%add3A_193], %get3A_197 : memref<512xi32, #tpu.memory_space<vmem>>[vector<16xi32>], vector<16xi32>,
      %add3A_198 = arith.constant 144 : i32
      %add3A_199 = vector.broadcast %add3A_198 : i32 to vector<16xi32>
      %add3A_200 = arith.addi %add3A_199, %iota3A : vector<16xi32>
      %mul3A_201 = arith.constant 2 : i32
      %mul3A_202 = vector.broadcast %mul3A_201 : i32 to vector<16xi32>
      %mul3A_203 = arith.muli %mul3A_202, %add3A_200 : vector<16xi32>
      %get3A_204 = arith.constant 1 : i32
      %get3A_205 = arith.index_cast %get3A_204 : i32 to index
      %get3A_206 = arith.constant 16 : index
      %get3A_207 = tpu.vector_load %arg5[%get3A_205, %get3A_206] {strides = array<i32>} : memref<2x128xi32, #tpu.memory_space<vmem>>, vector<16xi32>,
      tpu.vector_store_idx %arg7[%mul3A_203], %get3A_207 : memref<512xi32, #tpu.memory_space<vmem>>[vector<16xi32>], vector<16xi32>,
      %add3A_208 = arith.constant 1 : i32
      %add3A_209 = vector.broadcast %add3A_208 : i32 to vector<16xi32>
      %add3A_210 = arith.addi %mul3A_203, %add3A_209 : vector<16xi32>
      %get3A_211 = arith.constant 1 : i32
      %get3A_212 = arith.index_cast %get3A_211 : i32 to index
      %get3A_213 = arith.constant 16 : index
      %get3A_214 = tpu.vector_load %arg6[%get3A_212, %get3A_213] {strides = array<i32>} : memref<2x128xi32, #tpu.memory_space<vmem>>, vector<16xi32>,
      tpu.vector_store_idx %arg7[%add3A_210], %get3A_214 : memref<512xi32, #tpu.memory_space<vmem>>[vector<16xi32>], vector<16xi32>,
      %add3A_215 = arith.constant 160 : i32
      %add3A_216 = vector.broadcast %add3A_215 : i32 to vector<16xi32>
      %add3A_217 = arith.addi %add3A_216, %iota3A : vector<16xi32>
      %mul3A_218 = arith.constant 2 : i32
      %mul3A_219 = vector.broadcast %mul3A_218 : i32 to vector<16xi32>
      %mul3A_220 = arith.muli %mul3A_219, %add3A_217 : vector<16xi32>
      %get3A_221 = arith.constant 1 : i32
      %get3A_222 = arith.index_cast %get3A_221 : i32 to index
      %get3A_223 = arith.constant 32 : index
      %get3A_224 = tpu.vector_load %arg5[%get3A_222, %get3A_223] {strides = array<i32>} : memref<2x128xi32, #tpu.memory_space<vmem>>, vector<16xi32>,
      tpu.vector_store_idx %arg7[%mul3A_220], %get3A_224 : memref<512xi32, #tpu.memory_space<vmem>>[vector<16xi32>], vector<16xi32>,
      %add3A_225 = arith.constant 1 : i32
      %add3A_226 = vector.broadcast %add3A_225 : i32 to vector<16xi32>
      %add3A_227 = arith.addi %mul3A_220, %add3A_226 : vector<16xi32>
      %get3A_228 = arith.constant 1 : i32
      %get3A_229 = arith.index_cast %get3A_228 : i32 to index
      %get3A_230 = arith.constant 32 : index
      %get3A_231 = tpu.vector_load %arg6[%get3A_229, %get3A_230] {strides = array<i32>} : memref<2x128xi32, #tpu.memory_space<vmem>>, vector<16xi32>,
      tpu.vector_store_idx %arg7[%add3A_227], %get3A_231 : memref<512xi32, #tpu.memory_space<vmem>>[vector<16xi32>], vector<16xi32>,
      %add3A_232 = arith.constant 176 : i32
      %add3A_233 = vector.broadcast %add3A_232 : i32 to vector<16xi32>
      %add3A_234 = arith.addi %add3A_233, %iota3A : vector<16xi32>
      %mul3A_235 = arith.constant 2 : i32
      %mul3A_236 = vector.broadcast %mul3A_235 : i32 to vector<16xi32>
      %mul3A_237 = arith.muli %mul3A_236, %add3A_234 : vector<16xi32>
      %get3A_238 = arith.constant 1 : i32
      %get3A_239 = arith.index_cast %get3A_238 : i32 to index
      %get3A_240 = arith.constant 48 : index
      %get3A_241 = tpu.vector_load %arg5[%get3A_239, %get3A_240] {strides = array<i32>} : memref<2x128xi32, #tpu.memory_space<vmem>>, vector<16xi32>,
      tpu.vector_store_idx %arg7[%mul3A_237], %get3A_241 : memref<512xi32, #tpu.memory_space<vmem>>[vector<16xi32>], vector<16xi32>,
      %add3A_242 = arith.constant 1 : i32
      %add3A_243 = vector.broadcast %add3A_242 : i32 to vector<16xi32>
      %add3A_244 = arith.addi %mul3A_237, %add3A_243 : vector<16xi32>
      %get3A_245 = arith.constant 1 : i32
      %get3A_246 = arith.index_cast %get3A_245 : i32 to index
      %get3A_247 = arith.constant 48 : index
      %get3A_248 = tpu.vector_load %arg6[%get3A_246, %get3A_247] {strides = array<i32>} : memref<2x128xi32, #tpu.memory_space<vmem>>, vector<16xi32>,
      tpu.vector_store_idx %arg7[%add3A_244], %get3A_248 : memref<512xi32, #tpu.memory_space<vmem>>[vector<16xi32>], vector<16xi32>,
      %add3A_249 = arith.constant 192 : i32
      %add3A_250 = vector.broadcast %add3A_249 : i32 to vector<16xi32>
      %add3A_251 = arith.addi %add3A_250, %iota3A : vector<16xi32>
      %mul3A_252 = arith.constant 2 : i32
      %mul3A_253 = vector.broadcast %mul3A_252 : i32 to vector<16xi32>
      %mul3A_254 = arith.muli %mul3A_253, %add3A_251 : vector<16xi32>
      %get3A_255 = arith.constant 1 : i32
      %get3A_256 = arith.index_cast %get3A_255 : i32 to index
      %get3A_257 = arith.constant 64 : index
      %get3A_258 = tpu.vector_load %arg5[%get3A_256, %get3A_257] {strides = array<i32>} : memref<2x128xi32, #tpu.memory_space<vmem>>, vector<16xi32>,
      tpu.vector_store_idx %arg7[%mul3A_254], %get3A_258 : memref<512xi32, #tpu.memory_space<vmem>>[vector<16xi32>], vector<16xi32>,
      %add3A_259 = arith.constant 1 : i32
      %add3A_260 = vector.broadcast %add3A_259 : i32 to vector<16xi32>
      %add3A_261 = arith.addi %mul3A_254, %add3A_260 : vector<16xi32>
      %get3A_262 = arith.constant 1 : i32
      %get3A_263 = arith.index_cast %get3A_262 : i32 to index
      %get3A_264 = arith.constant 64 : index
      %get3A_265 = tpu.vector_load %arg6[%get3A_263, %get3A_264] {strides = array<i32>} : memref<2x128xi32, #tpu.memory_space<vmem>>, vector<16xi32>,
      tpu.vector_store_idx %arg7[%add3A_261], %get3A_265 : memref<512xi32, #tpu.memory_space<vmem>>[vector<16xi32>], vector<16xi32>,
      %add3A_266 = arith.constant 208 : i32
      %add3A_267 = vector.broadcast %add3A_266 : i32 to vector<16xi32>
      %add3A_268 = arith.addi %add3A_267, %iota3A : vector<16xi32>
      %mul3A_269 = arith.constant 2 : i32
      %mul3A_270 = vector.broadcast %mul3A_269 : i32 to vector<16xi32>
      %mul3A_271 = arith.muli %mul3A_270, %add3A_268 : vector<16xi32>
      %get3A_272 = arith.constant 1 : i32
      %get3A_273 = arith.index_cast %get3A_272 : i32 to index
      %get3A_274 = arith.constant 80 : index
      %get3A_275 = tpu.vector_load %arg5[%get3A_273, %get3A_274] {strides = array<i32>} : memref<2x128xi32, #tpu.memory_space<vmem>>, vector<16xi32>,
      tpu.vector_store_idx %arg7[%mul3A_271], %get3A_275 : memref<512xi32, #tpu.memory_space<vmem>>[vector<16xi32>], vector<16xi32>,
      %add3A_276 = arith.constant 1 : i32
      %add3A_277 = vector.broadcast %add3A_276 : i32 to vector<16xi32>
      %add3A_278 = arith.addi %mul3A_271, %add3A_277 : vector<16xi32>
      %get3A_279 = arith.constant 1 : i32
      %get3A_280 = arith.index_cast %get3A_279 : i32 to index
      %get3A_281 = arith.constant 80 : index
      %get3A_282 = tpu.vector_load %arg6[%get3A_280, %get3A_281] {strides = array<i32>} : memref<2x128xi32, #tpu.memory_space<vmem>>, vector<16xi32>,
      tpu.vector_store_idx %arg7[%add3A_278], %get3A_282 : memref<512xi32, #tpu.memory_space<vmem>>[vector<16xi32>], vector<16xi32>,
      %add3A_283 = arith.constant 224 : i32
      %add3A_284 = vector.broadcast %add3A_283 : i32 to vector<16xi32>
      %add3A_285 = arith.addi %add3A_284, %iota3A : vector<16xi32>
      %mul3A_286 = arith.constant 2 : i32
      %mul3A_287 = vector.broadcast %mul3A_286 : i32 to vector<16xi32>
      %mul3A_288 = arith.muli %mul3A_287, %add3A_285 : vector<16xi32>
      %get3A_289 = arith.constant 1 : i32
      %get3A_290 = arith.index_cast %get3A_289 : i32 to index
      %get3A_291 = arith.constant 96 : index
      %get3A_292 = tpu.vector_load %arg5[%get3A_290, %get3A_291] {strides = array<i32>} : memref<2x128xi32, #tpu.memory_space<vmem>>, vector<16xi32>,
      tpu.vector_store_idx %arg7[%mul3A_288], %get3A_292 : memref<512xi32, #tpu.memory_space<vmem>>[vector<16xi32>], vector<16xi32>,
      %add3A_293 = arith.constant 1 : i32
      %add3A_294 = vector.broadcast %add3A_293 : i32 to vector<16xi32>
      %add3A_295 = arith.addi %mul3A_288, %add3A_294 : vector<16xi32>
      %get3A_296 = arith.constant 1 : i32
      %get3A_297 = arith.index_cast %get3A_296 : i32 to index
      %get3A_298 = arith.constant 96 : index
      %get3A_299 = tpu.vector_load %arg6[%get3A_297, %get3A_298] {strides = array<i32>} : memref<2x128xi32, #tpu.memory_space<vmem>>, vector<16xi32>,
      tpu.vector_store_idx %arg7[%add3A_295], %get3A_299 : memref<512xi32, #tpu.memory_space<vmem>>[vector<16xi32>], vector<16xi32>,
      %add3A_300 = arith.constant 240 : i32
      %add3A_301 = vector.broadcast %add3A_300 : i32 to vector<16xi32>
      %add3A_302 = arith.addi %add3A_301, %iota3A : vector<16xi32>
      %mul3A_303 = arith.constant 2 : i32
      %mul3A_304 = vector.broadcast %mul3A_303 : i32 to vector<16xi32>
      %mul3A_305 = arith.muli %mul3A_304, %add3A_302 : vector<16xi32>
      %get3A_306 = arith.constant 1 : i32
      %get3A_307 = arith.index_cast %get3A_306 : i32 to index
      %get3A_308 = arith.constant 112 : index
      %get3A_309 = tpu.vector_load %arg5[%get3A_307, %get3A_308] {strides = array<i32>} : memref<2x128xi32, #tpu.memory_space<vmem>>, vector<16xi32>,
      tpu.vector_store_idx %arg7[%mul3A_305], %get3A_309 : memref<512xi32, #tpu.memory_space<vmem>>[vector<16xi32>], vector<16xi32>,
      %add3A_310 = arith.constant 1 : i32
      %add3A_311 = vector.broadcast %add3A_310 : i32 to vector<16xi32>
      %add3A_312 = arith.addi %mul3A_305, %add3A_311 : vector<16xi32>
      %get3A_313 = arith.constant 1 : i32
      %get3A_314 = arith.index_cast %get3A_313 : i32 to index
      %get3A_315 = arith.constant 112 : index
      %get3A_316 = tpu.vector_load %arg6[%get3A_314, %get3A_315] {strides = array<i32>} : memref<2x128xi32, #tpu.memory_space<vmem>>, vector<16xi32>,
      tpu.vector_store_idx %arg7[%add3A_312], %get3A_316 : memref<512xi32, #tpu.memory_space<vmem>>[vector<16xi32>], vector<16xi32>,
      %dma_start3A = arith.constant 0 : i32
      %dma_start3A_317 = arith.constant 0 : i32
      %dma_start3A_318 = tpu.memref_slice %arg8[%dma_start3A, %dma_start3A_317] : memref<512x64xf32, #tpu.memory_space<vmem>> -> memref<128x64xf32, #tpu.memory_space<vmem>>
      %dma_start3A_319 = arith.constant 0 : i32
      %dma_start3A_320 = tpu.memref_slice %arg7[%dma_start3A_319] : memref<512xi32, #tpu.memory_space<vmem>> -> memref<128xi32, #tpu.memory_space<vmem>>
      %dma_start3A_321 = arith.constant 0 : i32
      %dma_start3A_322 = arith.constant 0 : i32
      %dma_start3A_323 = tpu.memref_slice %arg3[%dma_start3A_321, %dma_start3A_322] : memref<1000000x64xf32, #tpu.memory_space<hbm>> -> memref<1000000x64xf32, #tpu.memory_space<hbm>>
      tpu.enqueue_indirect_dma source(%dma_start3A_323 : memref<1000000x64xf32, #tpu.memory_space<hbm>>) target(%dma_start3A_318 : memref<128x64xf32, #tpu.memory_space<vmem>>) offsets(%dma_start3A_320 : memref<128xi32, #tpu.memory_space<vmem>>) semaphore(%arg9 : memref<!tpu.dma_semaphore, #tpu.memory_space<semaphore_mem>>)
      %dma_start3A_324 = arith.constant 128 : i32
      %dma_start3A_325 = arith.constant 0 : i32
      %dma_start3A_326 = tpu.memref_slice %arg8[%dma_start3A_324, %dma_start3A_325] : memref<512x64xf32, #tpu.memory_space<vmem>> -> memref<128x64xf32, #tpu.memory_space<vmem>>
      %dma_start3A_327 = arith.constant 128 : i32
      %dma_start3A_328 = tpu.memref_slice %arg7[%dma_start3A_327] : memref<512xi32, #tpu.memory_space<vmem>> -> memref<128xi32, #tpu.memory_space<vmem>>
      %dma_start3A_329 = arith.constant 0 : i32
      %dma_start3A_330 = arith.constant 0 : i32
      %dma_start3A_331 = tpu.memref_slice %arg3[%dma_start3A_329, %dma_start3A_330] : memref<1000000x64xf32, #tpu.memory_space<hbm>> -> memref<1000000x64xf32, #tpu.memory_space<hbm>>
      tpu.enqueue_indirect_dma source(%dma_start3A_331 : memref<1000000x64xf32, #tpu.memory_space<hbm>>) target(%dma_start3A_326 : memref<128x64xf32, #tpu.memory_space<vmem>>) offsets(%dma_start3A_328 : memref<128xi32, #tpu.memory_space<vmem>>) semaphore(%arg9 : memref<!tpu.dma_semaphore, #tpu.memory_space<semaphore_mem>>)
      %dma_start3A_332 = arith.constant 256 : i32
      %dma_start3A_333 = arith.constant 0 : i32
      %dma_start3A_334 = tpu.memref_slice %arg8[%dma_start3A_332, %dma_start3A_333] : memref<512x64xf32, #tpu.memory_space<vmem>> -> memref<128x64xf32, #tpu.memory_space<vmem>>
      %dma_start3A_335 = arith.constant 256 : i32
      %dma_start3A_336 = tpu.memref_slice %arg7[%dma_start3A_335] : memref<512xi32, #tpu.memory_space<vmem>> -> memref<128xi32, #tpu.memory_space<vmem>>
      %dma_start3A_337 = arith.constant 0 : i32
      %dma_start3A_338 = arith.constant 0 : i32
      %dma_start3A_339 = tpu.memref_slice %arg3[%dma_start3A_337, %dma_start3A_338] : memref<1000000x64xf32, #tpu.memory_space<hbm>> -> memref<1000000x64xf32, #tpu.memory_space<hbm>>
      tpu.enqueue_indirect_dma source(%dma_start3A_339 : memref<1000000x64xf32, #tpu.memory_space<hbm>>) target(%dma_start3A_334 : memref<128x64xf32, #tpu.memory_space<vmem>>) offsets(%dma_start3A_336 : memref<128xi32, #tpu.memory_space<vmem>>) semaphore(%arg9 : memref<!tpu.dma_semaphore, #tpu.memory_space<semaphore_mem>>)
      %dma_start3A_340 = arith.constant 384 : i32
      %dma_start3A_341 = arith.constant 0 : i32
      %dma_start3A_342 = tpu.memref_slice %arg8[%dma_start3A_340, %dma_start3A_341] : memref<512x64xf32, #tpu.memory_space<vmem>> -> memref<128x64xf32, #tpu.memory_space<vmem>>
      %dma_start3A_343 = arith.constant 384 : i32
      %dma_start3A_344 = tpu.memref_slice %arg7[%dma_start3A_343] : memref<512xi32, #tpu.memory_space<vmem>> -> memref<128xi32, #tpu.memory_space<vmem>>
      %dma_start3A_345 = arith.constant 0 : i32
      %dma_start3A_346 = arith.constant 0 : i32
      %dma_start3A_347 = tpu.memref_slice %arg3[%dma_start3A_345, %dma_start3A_346] : memref<1000000x64xf32, #tpu.memory_space<hbm>> -> memref<1000000x64xf32, #tpu.memory_space<hbm>>
      tpu.enqueue_indirect_dma source(%dma_start3A_347 : memref<1000000x64xf32, #tpu.memory_space<hbm>>) target(%dma_start3A_342 : memref<128x64xf32, #tpu.memory_space<vmem>>) offsets(%dma_start3A_344 : memref<128xi32, #tpu.memory_space<vmem>>) semaphore(%arg9 : memref<!tpu.dma_semaphore, #tpu.memory_space<semaphore_mem>>)
      %dma_wait3A = arith.constant 0 : i32
      %dma_wait3A_348 = arith.constant 0 : i32
      %dma_wait3A_349 = tpu.memref_slice %arg8[%dma_wait3A, %dma_wait3A_348] : memref<512x64xf32, #tpu.memory_space<vmem>> -> memref<128x64xf32, #tpu.memory_space<vmem>>
      %dma_wait3A_350 = arith.constant 0 : i32
      %dma_wait3A_351 = tpu.memref_slice %arg7[%dma_wait3A_350] : memref<512xi32, #tpu.memory_space<vmem>> -> memref<128xi32, #tpu.memory_space<vmem>>
      %dma_wait3A_352 = arith.constant 0 : i32
      %dma_wait3A_353 = arith.constant 0 : i32
      %dma_wait3A_354 = tpu.memref_slice %arg3[%dma_wait3A_352, %dma_wait3A_353] : memref<1000000x64xf32, #tpu.memory_space<hbm>> -> memref<1000000x64xf32, #tpu.memory_space<hbm>>
      tpu.wait_indirect_dma semaphore(%arg9 : memref<!tpu.dma_semaphore, #tpu.memory_space<semaphore_mem>>) src(%dma_wait3A_354 : memref<1000000x64xf32, #tpu.memory_space<hbm>>) dst(%dma_wait3A_349 : memref<128x64xf32, #tpu.memory_space<vmem>>)
      %dma_wait3A_355 = arith.constant 128 : i32
      %dma_wait3A_356 = arith.constant 0 : i32
      %dma_wait3A_357 = tpu.memref_slice %arg8[%dma_wait3A_355, %dma_wait3A_356] : memref<512x64xf32, #tpu.memory_space<vmem>> -> memref<128x64xf32, #tpu.memory_space<vmem>>
      %dma_wait3A_358 = arith.constant 128 : i32
      %dma_wait3A_359 = tpu.memref_slice %arg7[%dma_wait3A_358] : memref<512xi32, #tpu.memory_space<vmem>> -> memref<128xi32, #tpu.memory_space<vmem>>
      %dma_wait3A_360 = arith.constant 0 : i32
      %dma_wait3A_361 = arith.constant 0 : i32
      %dma_wait3A_362 = tpu.memref_slice %arg3[%dma_wait3A_360, %dma_wait3A_361] : memref<1000000x64xf32, #tpu.memory_space<hbm>> -> memref<1000000x64xf32, #tpu.memory_space<hbm>>
      tpu.wait_indirect_dma semaphore(%arg9 : memref<!tpu.dma_semaphore, #tpu.memory_space<semaphore_mem>>) src(%dma_wait3A_362 : memref<1000000x64xf32, #tpu.memory_space<hbm>>) dst(%dma_wait3A_357 : memref<128x64xf32, #tpu.memory_space<vmem>>)
      %dma_wait3A_363 = arith.constant 256 : i32
      %dma_wait3A_364 = arith.constant 0 : i32
      %dma_wait3A_365 = tpu.memref_slice %arg8[%dma_wait3A_363, %dma_wait3A_364] : memref<512x64xf32, #tpu.memory_space<vmem>> -> memref<128x64xf32, #tpu.memory_space<vmem>>
      %dma_wait3A_366 = arith.constant 256 : i32
      %dma_wait3A_367 = tpu.memref_slice %arg7[%dma_wait3A_366] : memref<512xi32, #tpu.memory_space<vmem>> -> memref<128xi32, #tpu.memory_space<vmem>>
      %dma_wait3A_368 = arith.constant 0 : i32
      %dma_wait3A_369 = arith.constant 0 : i32
      %dma_wait3A_370 = tpu.memref_slice %arg3[%dma_wait3A_368, %dma_wait3A_369] : memref<1000000x64xf32, #tpu.memory_space<hbm>> -> memref<1000000x64xf32, #tpu.memory_space<hbm>>
      tpu.wait_indirect_dma semaphore(%arg9 : memref<!tpu.dma_semaphore, #tpu.memory_space<semaphore_mem>>) src(%dma_wait3A_370 : memref<1000000x64xf32, #tpu.memory_space<hbm>>) dst(%dma_wait3A_365 : memref<128x64xf32, #tpu.memory_space<vmem>>)
      %dma_wait3A_371 = arith.constant 384 : i32
      %dma_wait3A_372 = arith.constant 0 : i32
      %dma_wait3A_373 = tpu.memref_slice %arg8[%dma_wait3A_371, %dma_wait3A_372] : memref<512x64xf32, #tpu.memory_space<vmem>> -> memref<128x64xf32, #tpu.memory_space<vmem>>
      %dma_wait3A_374 = arith.constant 384 : i32
      %dma_wait3A_375 = tpu.memref_slice %arg7[%dma_wait3A_374] : memref<512xi32, #tpu.memory_space<vmem>> -> memref<128xi32, #tpu.memory_space<vmem>>
      %dma_wait3A_376 = arith.constant 0 : i32
      %dma_wait3A_377 = arith.constant 0 : i32
      %dma_wait3A_378 = tpu.memref_slice %arg3[%dma_wait3A_376, %dma_wait3A_377] : memref<1000000x64xf32, #tpu.memory_space<hbm>> -> memref<1000000x64xf32, #tpu.memory_space<hbm>>
      tpu.wait_indirect_dma semaphore(%arg9 : memref<!tpu.dma_semaphore, #tpu.memory_space<semaphore_mem>>) src(%dma_wait3A_378 : memref<1000000x64xf32, #tpu.memory_space<hbm>>) dst(%dma_wait3A_373 : memref<128x64xf32, #tpu.memory_space<vmem>>)
      %mul3A_379 = arith.constant 512 : i32
      %mul3A_380 = arith.muli %add3A_9, %mul3A_379 : i32
      "tpu.region"() ({
        %run_scoped3A = tpu.sem_alloc : memref<!tpu.dma_semaphore, #tpu.memory_space<semaphore_mem>>
        %dma_start3A_381 = arith.constant 0 : i32
        %dma_start3A_382 = tpu.memref_slice %arg4[%mul3A_380, %dma_start3A_381] : memref<212992x64xf32, #tpu.memory_space<hbm>> -> memref<512x64xf32, #tpu.memory_space<hbm>>
        %dma_start3A_383 = arith.constant 0 : i32
        %dma_start3A_384 = tpu.memref_slice %arg4[%mul3A_380, %dma_start3A_383] : memref<212992x64xf32, #tpu.memory_space<hbm>> -> memref<512x64xf32, #tpu.memory_space<hbm>>
        tpu.enqueue_dma source(%arg8 : memref<512x64xf32, #tpu.memory_space<vmem>>) target(%dma_start3A_384 : memref<512x64xf32, #tpu.memory_space<hbm>>) target_semaphore(%run_scoped3A : memref<!tpu.dma_semaphore, #tpu.memory_space<semaphore_mem>>)
        %dma_wait3A_385 = arith.constant 0 : i32
        %dma_wait3A_386 = tpu.memref_slice %arg4[%mul3A_380, %dma_wait3A_385] : memref<212992x64xf32, #tpu.memory_space<hbm>> -> memref<512x64xf32, #tpu.memory_space<hbm>>
        %dma_wait3A_387 = arith.constant 0 : i32
        %dma_wait3A_388 = tpu.memref_slice %arg4[%mul3A_380, %dma_wait3A_387] : memref<212992x64xf32, #tpu.memory_space<hbm>> -> memref<512x64xf32, #tpu.memory_space<hbm>>
        tpu.wait_dma2 semaphore(%run_scoped3A : memref<!tpu.dma_semaphore, #tpu.memory_space<semaphore_mem>>) src(%arg8 : memref<512x64xf32, #tpu.memory_space<vmem>>) dst(%dma_wait3A_388 : memref<512x64xf32, #tpu.memory_space<hbm>>)
        tpu.yield
      }) : () -> ()
    }
    %scan3A_5 = arith.constant 13 : i32
    return
  }
}

#map = affine_map<(d0, d1) -> (0, 0, 0)>
#map1 = affine_map<(d0, d1) -> (0, 0)>
module attributes {stable_mosaic.version = 14 : i64} {
  func.func @sc_gather_0(%arg0: i32, %arg1: i32, %arg2: memref<26x128x128xi32, #tpu.memory_space<hbm>>, %arg3: memref<1000000x64xf32, #tpu.memory_space<hbm>>, %arg4: memref<212992x64xf32, #tpu.memory_space<hbm>>, %arg5: memref<2x128xi32, #tpu.memory_space<vmem>>, %arg6: memref<2x128xi32, #tpu.memory_space<vmem>>, %arg7: memref<512xi32, #tpu.memory_space<vmem>>, %arg8: memref<512x64xf32, #tpu.memory_space<vmem>>, %arg9: memref<!tpu.dma_semaphore, #tpu.memory_space<semaphore_mem>>) attributes {dimension_semantics = [#tpu.dimension_semantics<core_parallel>, #tpu.dimension_semantics<subcore_parallel>], iteration_bounds = array<i64: 2, 16>, scalar_prefetch = 0 : i64, scratch_operands = 5 : i64, tpu.core_type = #tpu.core_type<sc_vector_subcore>, window_params = [{transform_indices = #map}, {transform_indices = #map1}, {transform_indices = #map1}]} {
    %mul3A = arith.constant 2 : i32
    %mul3A_0 = arith.muli %arg1, %mul3A : i32
    %add3A = arith.addi %mul3A_0, %arg0 : i32
    %iota3A = tpu.iota {dimensions = array<i32: 0>} : vector<16xi32>
    %scan3A = arith.constant 0 : i32
    %scan3A_1 = arith.constant 0 : i32
    %scan3A_2 = arith.constant 13 : i32
    %scan3A_3 = arith.addi %scan3A_1, %scan3A_2 : i32
    %scan3A_4 = arith.constant 1 : i32
    scf.for %scan3A_6 = %scan3A_1 to %scan3A_3 step %scan3A_4  : i32 {
      %mul3A_7 = arith.constant 32 : i32
      %mul3A_8 = arith.muli %mul3A_7, %scan3A_6 : i32
      %add3A_9 = arith.addi %add3A, %mul3A_8 : i32
      %jit3A = arith.constant 32 : i32
      %div3A = arith.divsi %add3A_9, %jit3A : i32
      %sign3A = arith.constant 0 : i32
      %sign3A_10 = arith.cmpi sgt, %add3A_9, %sign3A : i32
      %sign3A_11 = arith.extui %sign3A_10 : i1 to i32
      %sign3A_12 = arith.constant 0 : i32
      %sign3A_13 = arith.cmpi slt, %add3A_9, %sign3A_12 : i32
      %sign3A_14 = arith.extui %sign3A_13 : i1 to i32
      %sign3A_15 = arith.subi %sign3A_11, %sign3A_14 : i32
      %sign3A_16 = arith.constant 0 : i32
      %sign3A_17 = arith.cmpi sgt, %jit3A, %sign3A_16 : i32
      %sign3A_18 = arith.extui %sign3A_17 : i1 to i32
      %sign3A_19 = arith.constant 0 : i32
      %sign3A_20 = arith.cmpi slt, %jit3A, %sign3A_19 : i32
      %sign3A_21 = arith.extui %sign3A_20 : i1 to i32
      %sign3A_22 = arith.subi %sign3A_18, %sign3A_21 : i32
      %ne3A = arith.cmpi ne, %sign3A_15, %sign3A_22 : i32
      %rem3A = arith.remsi %add3A_9, %jit3A : i32
      %ne3A_23 = arith.constant 0 : i32
      %ne3A_24 = arith.cmpi ne, %rem3A, %ne3A_23 : i32
      %and3A = arith.andi %ne3A, %ne3A_24 : i1
      %sub3A = arith.constant 1 : i32
      %sub3A_25 = arith.subi %div3A, %sub3A : i32
      %select_n3A = arith.select %and3A, %sub3A_25, %div3A : i32
      %add3A_26 = arith.constant 0 : i32
      %add3A_27 = arith.addi %add3A_26, %select_n3A : i32
      %jit3A_28 = arith.constant 32 : i32
      %eq3A = arith.constant 0 : i32
      %eq3A_29 = arith.cmpi eq, %jit3A_28, %eq3A : i32
      %jit3A_30 = arith.constant 1 : i32
      %select_n3A_31 = arith.select %eq3A_29, %jit3A_30, %jit3A_28 : i32
      %rem3A_32 = arith.remsi %add3A_9, %select_n3A_31 : i32
      %ne3A_33 = arith.constant 0 : i32
      %ne3A_34 = arith.cmpi ne, %rem3A_32, %ne3A_33 : i32
      %lt3A = arith.constant 0 : i32
      %lt3A_35 = arith.cmpi slt, %rem3A_32, %lt3A : i32
      %lt3A_36 = arith.constant 0 : i32
      %lt3A_37 = arith.cmpi slt, %select_n3A_31, %lt3A_36 : i32
      %ne3A_38 = arith.xori %lt3A_35, %lt3A_37 : i1
      %and3A_39 = arith.andi %ne3A_38, %ne3A_34 : i1
      %add3A_40 = arith.addi %rem3A_32, %select_n3A_31 : i32
      %select_n3A_41 = arith.select %and3A_39, %add3A_40, %rem3A_32 : i32
      %mul3A_42 = arith.constant 2 : i32
      %mul3A_43 = arith.muli %select_n3A_41, %mul3A_42 : i32
      "tpu.region"() ({
        %run_scoped3A = tpu.sem_alloc : memref<!tpu.dma_semaphore, #tpu.memory_space<semaphore_mem>>
        %dma_start3A_381 = arith.constant 0 : i32
        %dma_start3A_382 = tpu.memref_slice %arg2[%add3A_27, %mul3A_43, %dma_start3A_381] : memref<26x128x128xi32, #tpu.memory_space<hbm>> -> memref<1x2x128xi32, #tpu.memory_space<hbm>>
        %dma_start3A_383 = tpu.memref_squeeze %dma_start3A_382 : memref<1x2x128xi32, #tpu.memory_space<hbm>> -> memref<2x128xi32, #tpu.memory_space<hbm>>
        %dma_start3A_384 = arith.constant 0 : i32
        %dma_start3A_385 = tpu.memref_slice %arg2[%add3A_27, %mul3A_43, %dma_start3A_384] : memref<26x128x128xi32, #tpu.memory_space<hbm>> -> memref<1x2x128xi32, #tpu.memory_space<hbm>>
        %dma_start3A_386 = tpu.memref_squeeze %dma_start3A_385 : memref<1x2x128xi32, #tpu.memory_space<hbm>> -> memref<2x128xi32, #tpu.memory_space<hbm>>
        tpu.enqueue_dma source(%dma_start3A_386 : memref<2x128xi32, #tpu.memory_space<hbm>>) target(%arg5 : memref<2x128xi32, #tpu.memory_space<vmem>>) target_semaphore(%run_scoped3A : memref<!tpu.dma_semaphore, #tpu.memory_space<semaphore_mem>>)
        %dma_wait3A_387 = arith.constant 0 : i32
        %dma_wait3A_388 = tpu.memref_slice %arg2[%add3A_27, %mul3A_43, %dma_wait3A_387] : memref<26x128x128xi32, #tpu.memory_space<hbm>> -> memref<1x2x128xi32, #tpu.memory_space<hbm>>
        %dma_wait3A_389 = tpu.memref_squeeze %dma_wait3A_388 : memref<1x2x128xi32, #tpu.memory_space<hbm>> -> memref<2x128xi32, #tpu.memory_space<hbm>>
        %dma_wait3A_390 = arith.constant 0 : i32
        %dma_wait3A_391 = tpu.memref_slice %arg2[%add3A_27, %mul3A_43, %dma_wait3A_390] : memref<26x128x128xi32, #tpu.memory_space<hbm>> -> memref<1x2x128xi32, #tpu.memory_space<hbm>>
        %dma_wait3A_392 = tpu.memref_squeeze %dma_wait3A_391 : memref<1x2x128xi32, #tpu.memory_space<hbm>> -> memref<2x128xi32, #tpu.memory_space<hbm>>
        tpu.wait_dma2 semaphore(%run_scoped3A : memref<!tpu.dma_semaphore, #tpu.memory_space<semaphore_mem>>) src(%dma_wait3A_392 : memref<2x128xi32, #tpu.memory_space<hbm>>) dst(%arg5 : memref<2x128xi32, #tpu.memory_space<vmem>>)
        tpu.yield
      }) : () -> ()
      %add3A_44 = arith.constant 64 : i32
      %add3A_45 = arith.addi %add3A_44, %mul3A_43 : i32
      "tpu.region"() ({
        %run_scoped3A = tpu.sem_alloc : memref<!tpu.dma_semaphore, #tpu.memory_space<semaphore_mem>>
        %dma_start3A_381 = arith.constant 0 : i32
        %dma_start3A_382 = tpu.memref_slice %arg2[%add3A_27, %add3A_45, %dma_start3A_381] : memref<26x128x128xi32, #tpu.memory_space<hbm>> -> memref<1x2x128xi32, #tpu.memory_space<hbm>>
        %dma_start3A_383 = tpu.memref_squeeze %dma_start3A_382 : memref<1x2x128xi32, #tpu.memory_space<hbm>> -> memref<2x128xi32, #tpu.memory_space<hbm>>
        %dma_start3A_384 = arith.constant 0 : i32
        %dma_start3A_385 = tpu.memref_slice %arg2[%add3A_27, %add3A_45, %dma_start3A_384] : memref<26x128x128xi32, #tpu.memory_space<hbm>> -> memref<1x2x128xi32, #tpu.memory_space<hbm>>
        %dma_start3A_386 = tpu.memref_squeeze %dma_start3A_385 : memref<1x2x128xi32, #tpu.memory_space<hbm>> -> memref<2x128xi32, #tpu.memory_space<hbm>>
        tpu.enqueue_dma source(%dma_start3A_386 : memref<2x128xi32, #tpu.memory_space<hbm>>) target(%arg6 : memref<2x128xi32, #tpu.memory_space<vmem>>) target_semaphore(%run_scoped3A : memref<!tpu.dma_semaphore, #tpu.memory_space<semaphore_mem>>)
        %dma_wait3A_387 = arith.constant 0 : i32
        %dma_wait3A_388 = tpu.memref_slice %arg2[%add3A_27, %add3A_45, %dma_wait3A_387] : memref<26x128x128xi32, #tpu.memory_space<hbm>> -> memref<1x2x128xi32, #tpu.memory_space<hbm>>
        %dma_wait3A_389 = tpu.memref_squeeze %dma_wait3A_388 : memref<1x2x128xi32, #tpu.memory_space<hbm>> -> memref<2x128xi32, #tpu.memory_space<hbm>>
        %dma_wait3A_390 = arith.constant 0 : i32
        %dma_wait3A_391 = tpu.memref_slice %arg2[%add3A_27, %add3A_45, %dma_wait3A_390] : memref<26x128x128xi32, #tpu.memory_space<hbm>> -> memref<1x2x128xi32, #tpu.memory_space<hbm>>
        %dma_wait3A_392 = tpu.memref_squeeze %dma_wait3A_391 : memref<1x2x128xi32, #tpu.memory_space<hbm>> -> memref<2x128xi32, #tpu.memory_space<hbm>>
        tpu.wait_dma2 semaphore(%run_scoped3A : memref<!tpu.dma_semaphore, #tpu.memory_space<semaphore_mem>>) src(%dma_wait3A_392 : memref<2x128xi32, #tpu.memory_space<hbm>>) dst(%arg6 : memref<2x128xi32, #tpu.memory_space<vmem>>)
        tpu.yield
      }) : () -> ()
      %add3A_46 = arith.constant 0 : i32
      %add3A_47 = vector.broadcast %add3A_46 : i32 to vector<16xi32>
      %add3A_48 = arith.addi %add3A_47, %iota3A : vector<16xi32>
      %mul3A_49 = arith.constant 2 : i32
      %mul3A_50 = vector.broadcast %mul3A_49 : i32 to vector<16xi32>
      %mul3A_51 = arith.muli %mul3A_50, %add3A_48 : vector<16xi32>
      %get3A = arith.constant 0 : i32
      %get3A_52 = arith.index_cast %get3A : i32 to index
      %get3A_53 = arith.constant 0 : index
      %get3A_54 = tpu.vector_load %arg5[%get3A_52, %get3A_53] {strides = array<i32>} : memref<2x128xi32, #tpu.memory_space<vmem>>, vector<16xi32>,
      tpu.vector_store_idx %arg7[%mul3A_51], %get3A_54 : memref<512xi32, #tpu.memory_space<vmem>>[vector<16xi32>], vector<16xi32>,
      %add3A_55 = arith.constant 1 : i32
      %add3A_56 = vector.broadcast %add3A_55 : i32 to vector<16xi32>
      %add3A_57 = arith.addi %mul3A_51, %add3A_56 : vector<16xi32>
      %get3A_58 = arith.constant 0 : i32
      %get3A_59 = arith.index_cast %get3A_58 : i32 to index
      %get3A_60 = arith.constant 0 : index
      %get3A_61 = tpu.vector_load %arg6[%get3A_59, %get3A_60] {strides = array<i32>} : memref<2x128xi32, #tpu.memory_space<vmem>>, vector<16xi32>,
      tpu.vector_store_idx %arg7[%add3A_57], %get3A_61 : memref<512xi32, #tpu.memory_space<vmem>>[vector<16xi32>], vector<16xi32>,
      %add3A_62 = arith.constant 16 : i32
      %add3A_63 = vector.broadcast %add3A_62 : i32 to vector<16xi32>
      %add3A_64 = arith.addi %add3A_63, %iota3A : vector<16xi32>
      %mul3A_65 = arith.constant 2 : i32
      %mul3A_66 = vector.broadcast %mul3A_65 : i32 to vector<16xi32>
      %mul3A_67 = arith.muli %mul3A_66, %add3A_64 : vector<16xi32>
      %get3A_68 = arith.constant 0 : i32
      %get3A_69 = arith.index_cast %get3A_68 : i32 to index
      %get3A_70 = arith.constant 16 : index
      %get3A_71 = tpu.vector_load %arg5[%get3A_69, %get3A_70] {strides = array<i32>} : memref<2x128xi32, #tpu.memory_space<vmem>>, vector<16xi32>,
      tpu.vector_store_idx %arg7[%mul3A_67], %get3A_71 : memref<512xi32, #tpu.memory_space<vmem>>[vector<16xi32>], vector<16xi32>,
      %add3A_72 = arith.constant 1 : i32
      %add3A_73 = vector.broadcast %add3A_72 : i32 to vector<16xi32>
      %add3A_74 = arith.addi %mul3A_67, %add3A_73 : vector<16xi32>
      %get3A_75 = arith.constant 0 : i32
      %get3A_76 = arith.index_cast %get3A_75 : i32 to index
      %get3A_77 = arith.constant 16 : index
      %get3A_78 = tpu.vector_load %arg6[%get3A_76, %get3A_77] {strides = array<i32>} : memref<2x128xi32, #tpu.memory_space<vmem>>, vector<16xi32>,
      tpu.vector_store_idx %arg7[%add3A_74], %get3A_78 : memref<512xi32, #tpu.memory_space<vmem>>[vector<16xi32>], vector<16xi32>,
      %add3A_79 = arith.constant 32 : i32
      %add3A_80 = vector.broadcast %add3A_79 : i32 to vector<16xi32>
      %add3A_81 = arith.addi %add3A_80, %iota3A : vector<16xi32>
      %mul3A_82 = arith.constant 2 : i32
      %mul3A_83 = vector.broadcast %mul3A_82 : i32 to vector<16xi32>
      %mul3A_84 = arith.muli %mul3A_83, %add3A_81 : vector<16xi32>
      %get3A_85 = arith.constant 0 : i32
      %get3A_86 = arith.index_cast %get3A_85 : i32 to index
      %get3A_87 = arith.constant 32 : index
      %get3A_88 = tpu.vector_load %arg5[%get3A_86, %get3A_87] {strides = array<i32>} : memref<2x128xi32, #tpu.memory_space<vmem>>, vector<16xi32>,
      tpu.vector_store_idx %arg7[%mul3A_84], %get3A_88 : memref<512xi32, #tpu.memory_space<vmem>>[vector<16xi32>], vector<16xi32>,
      %add3A_89 = arith.constant 1 : i32
      %add3A_90 = vector.broadcast %add3A_89 : i32 to vector<16xi32>
      %add3A_91 = arith.addi %mul3A_84, %add3A_90 : vector<16xi32>
      %get3A_92 = arith.constant 0 : i32
      %get3A_93 = arith.index_cast %get3A_92 : i32 to index
      %get3A_94 = arith.constant 32 : index
      %get3A_95 = tpu.vector_load %arg6[%get3A_93, %get3A_94] {strides = array<i32>} : memref<2x128xi32, #tpu.memory_space<vmem>>, vector<16xi32>,
      tpu.vector_store_idx %arg7[%add3A_91], %get3A_95 : memref<512xi32, #tpu.memory_space<vmem>>[vector<16xi32>], vector<16xi32>,
      %add3A_96 = arith.constant 48 : i32
      %add3A_97 = vector.broadcast %add3A_96 : i32 to vector<16xi32>
      %add3A_98 = arith.addi %add3A_97, %iota3A : vector<16xi32>
      %mul3A_99 = arith.constant 2 : i32
      %mul3A_100 = vector.broadcast %mul3A_99 : i32 to vector<16xi32>
      %mul3A_101 = arith.muli %mul3A_100, %add3A_98 : vector<16xi32>
      %get3A_102 = arith.constant 0 : i32
      %get3A_103 = arith.index_cast %get3A_102 : i32 to index
      %get3A_104 = arith.constant 48 : index
      %get3A_105 = tpu.vector_load %arg5[%get3A_103, %get3A_104] {strides = array<i32>} : memref<2x128xi32, #tpu.memory_space<vmem>>, vector<16xi32>,
      tpu.vector_store_idx %arg7[%mul3A_101], %get3A_105 : memref<512xi32, #tpu.memory_space<vmem>>[vector<16xi32>], vector<16xi32>,
      %add3A_106 = arith.constant 1 : i32
      %add3A_107 = vector.broadcast %add3A_106 : i32 to vector<16xi32>
      %add3A_108 = arith.addi %mul3A_101, %add3A_107 : vector<16xi32>
      %get3A_109 = arith.constant 0 : i32
      %get3A_110 = arith.index_cast %get3A_109 : i32 to index
      %get3A_111 = arith.constant 48 : index
      %get3A_112 = tpu.vector_load %arg6[%get3A_110, %get3A_111] {strides = array<i32>} : memref<2x128xi32, #tpu.memory_space<vmem>>, vector<16xi32>,
      tpu.vector_store_idx %arg7[%add3A_108], %get3A_112 : memref<512xi32, #tpu.memory_space<vmem>>[vector<16xi32>], vector<16xi32>,
      %add3A_113 = arith.constant 64 : i32
      %add3A_114 = vector.broadcast %add3A_113 : i32 to vector<16xi32>
      %add3A_115 = arith.addi %add3A_114, %iota3A : vector<16xi32>
      %mul3A_116 = arith.constant 2 : i32
      %mul3A_117 = vector.broadcast %mul3A_116 : i32 to vector<16xi32>
      %mul3A_118 = arith.muli %mul3A_117, %add3A_115 : vector<16xi32>
      %get3A_119 = arith.constant 0 : i32
      %get3A_120 = arith.index_cast %get3A_119 : i32 to index
      %get3A_121 = arith.constant 64 : index
      %get3A_122 = tpu.vector_load %arg5[%get3A_120, %get3A_121] {strides = array<i32>} : memref<2x128xi32, #tpu.memory_space<vmem>>, vector<16xi32>,
      tpu.vector_store_idx %arg7[%mul3A_118], %get3A_122 : memref<512xi32, #tpu.memory_space<vmem>>[vector<16xi32>], vector<16xi32>,
      %add3A_123 = arith.constant 1 : i32
      %add3A_124 = vector.broadcast %add3A_123 : i32 to vector<16xi32>
      %add3A_125 = arith.addi %mul3A_118, %add3A_124 : vector<16xi32>
      %get3A_126 = arith.constant 0 : i32
      %get3A_127 = arith.index_cast %get3A_126 : i32 to index
      %get3A_128 = arith.constant 64 : index
      %get3A_129 = tpu.vector_load %arg6[%get3A_127, %get3A_128] {strides = array<i32>} : memref<2x128xi32, #tpu.memory_space<vmem>>, vector<16xi32>,
      tpu.vector_store_idx %arg7[%add3A_125], %get3A_129 : memref<512xi32, #tpu.memory_space<vmem>>[vector<16xi32>], vector<16xi32>,
      %add3A_130 = arith.constant 80 : i32
      %add3A_131 = vector.broadcast %add3A_130 : i32 to vector<16xi32>
      %add3A_132 = arith.addi %add3A_131, %iota3A : vector<16xi32>
      %mul3A_133 = arith.constant 2 : i32
      %mul3A_134 = vector.broadcast %mul3A_133 : i32 to vector<16xi32>
      %mul3A_135 = arith.muli %mul3A_134, %add3A_132 : vector<16xi32>
      %get3A_136 = arith.constant 0 : i32
      %get3A_137 = arith.index_cast %get3A_136 : i32 to index
      %get3A_138 = arith.constant 80 : index
      %get3A_139 = tpu.vector_load %arg5[%get3A_137, %get3A_138] {strides = array<i32>} : memref<2x128xi32, #tpu.memory_space<vmem>>, vector<16xi32>,
      tpu.vector_store_idx %arg7[%mul3A_135], %get3A_139 : memref<512xi32, #tpu.memory_space<vmem>>[vector<16xi32>], vector<16xi32>,
      %add3A_140 = arith.constant 1 : i32
      %add3A_141 = vector.broadcast %add3A_140 : i32 to vector<16xi32>
      %add3A_142 = arith.addi %mul3A_135, %add3A_141 : vector<16xi32>
      %get3A_143 = arith.constant 0 : i32
      %get3A_144 = arith.index_cast %get3A_143 : i32 to index
      %get3A_145 = arith.constant 80 : index
      %get3A_146 = tpu.vector_load %arg6[%get3A_144, %get3A_145] {strides = array<i32>} : memref<2x128xi32, #tpu.memory_space<vmem>>, vector<16xi32>,
      tpu.vector_store_idx %arg7[%add3A_142], %get3A_146 : memref<512xi32, #tpu.memory_space<vmem>>[vector<16xi32>], vector<16xi32>,
      %add3A_147 = arith.constant 96 : i32
      %add3A_148 = vector.broadcast %add3A_147 : i32 to vector<16xi32>
      %add3A_149 = arith.addi %add3A_148, %iota3A : vector<16xi32>
      %mul3A_150 = arith.constant 2 : i32
      %mul3A_151 = vector.broadcast %mul3A_150 : i32 to vector<16xi32>
      %mul3A_152 = arith.muli %mul3A_151, %add3A_149 : vector<16xi32>
      %get3A_153 = arith.constant 0 : i32
      %get3A_154 = arith.index_cast %get3A_153 : i32 to index
      %get3A_155 = arith.constant 96 : index
      %get3A_156 = tpu.vector_load %arg5[%get3A_154, %get3A_155] {strides = array<i32>} : memref<2x128xi32, #tpu.memory_space<vmem>>, vector<16xi32>,
      tpu.vector_store_idx %arg7[%mul3A_152], %get3A_156 : memref<512xi32, #tpu.memory_space<vmem>>[vector<16xi32>], vector<16xi32>,
      %add3A_157 = arith.constant 1 : i32
      %add3A_158 = vector.broadcast %add3A_157 : i32 to vector<16xi32>
      %add3A_159 = arith.addi %mul3A_152, %add3A_158 : vector<16xi32>
      %get3A_160 = arith.constant 0 : i32
      %get3A_161 = arith.index_cast %get3A_160 : i32 to index
      %get3A_162 = arith.constant 96 : index
      %get3A_163 = tpu.vector_load %arg6[%get3A_161, %get3A_162] {strides = array<i32>} : memref<2x128xi32, #tpu.memory_space<vmem>>, vector<16xi32>,
      tpu.vector_store_idx %arg7[%add3A_159], %get3A_163 : memref<512xi32, #tpu.memory_space<vmem>>[vector<16xi32>], vector<16xi32>,
      %add3A_164 = arith.constant 112 : i32
      %add3A_165 = vector.broadcast %add3A_164 : i32 to vector<16xi32>
      %add3A_166 = arith.addi %add3A_165, %iota3A : vector<16xi32>
      %mul3A_167 = arith.constant 2 : i32
      %mul3A_168 = vector.broadcast %mul3A_167 : i32 to vector<16xi32>
      %mul3A_169 = arith.muli %mul3A_168, %add3A_166 : vector<16xi32>
      %get3A_170 = arith.constant 0 : i32
      %get3A_171 = arith.index_cast %get3A_170 : i32 to index
      %get3A_172 = arith.constant 112 : index
      %get3A_173 = tpu.vector_load %arg5[%get3A_171, %get3A_172] {strides = array<i32>} : memref<2x128xi32, #tpu.memory_space<vmem>>, vector<16xi32>,
      tpu.vector_store_idx %arg7[%mul3A_169], %get3A_173 : memref<512xi32, #tpu.memory_space<vmem>>[vector<16xi32>], vector<16xi32>,
      %add3A_174 = arith.constant 1 : i32
      %add3A_175 = vector.broadcast %add3A_174 : i32 to vector<16xi32>
      %add3A_176 = arith.addi %mul3A_169, %add3A_175 : vector<16xi32>
      %get3A_177 = arith.constant 0 : i32
      %get3A_178 = arith.index_cast %get3A_177 : i32 to index
      %get3A_179 = arith.constant 112 : index
      %get3A_180 = tpu.vector_load %arg6[%get3A_178, %get3A_179] {strides = array<i32>} : memref<2x128xi32, #tpu.memory_space<vmem>>, vector<16xi32>,
      tpu.vector_store_idx %arg7[%add3A_176], %get3A_180 : memref<512xi32, #tpu.memory_space<vmem>>[vector<16xi32>], vector<16xi32>,
      %add3A_181 = arith.constant 128 : i32
      %add3A_182 = vector.broadcast %add3A_181 : i32 to vector<16xi32>
      %add3A_183 = arith.addi %add3A_182, %iota3A : vector<16xi32>
      %mul3A_184 = arith.constant 2 : i32
      %mul3A_185 = vector.broadcast %mul3A_184 : i32 to vector<16xi32>
      %mul3A_186 = arith.muli %mul3A_185, %add3A_183 : vector<16xi32>
      %get3A_187 = arith.constant 1 : i32
      %get3A_188 = arith.index_cast %get3A_187 : i32 to index
      %get3A_189 = arith.constant 0 : index
      %get3A_190 = tpu.vector_load %arg5[%get3A_188, %get3A_189] {strides = array<i32>} : memref<2x128xi32, #tpu.memory_space<vmem>>, vector<16xi32>,
      tpu.vector_store_idx %arg7[%mul3A_186], %get3A_190 : memref<512xi32, #tpu.memory_space<vmem>>[vector<16xi32>], vector<16xi32>,
      %add3A_191 = arith.constant 1 : i32
      %add3A_192 = vector.broadcast %add3A_191 : i32 to vector<16xi32>
      %add3A_193 = arith.addi %mul3A_186, %add3A_192 : vector<16xi32>
      %get3A_194 = arith.constant 1 : i32
      %get3A_195 = arith.index_cast %get3A_194 : i32 to index
      %get3A_196 = arith.constant 0 : index
      %get3A_197 = tpu.vector_load %arg6[%get3A_195, %get3A_196] {strides = array<i32>} : memref<2x128xi32, #tpu.memory_space<vmem>>, vector<16xi32>,
      tpu.vector_store_idx %arg7[%add3A_193], %get3A_197 : memref<512xi32, #tpu.memory_space<vmem>>[vector<16xi32>], vector<16xi32>,
      %add3A_198 = arith.constant 144 : i32
      %add3A_199 = vector.broadcast %add3A_198 : i32 to vector<16xi32>
      %add3A_200 = arith.addi %add3A_199, %iota3A : vector<16xi32>
      %mul3A_201 = arith.constant 2 : i32
      %mul3A_202 = vector.broadcast %mul3A_201 : i32 to vector<16xi32>
      %mul3A_203 = arith.muli %mul3A_202, %add3A_200 : vector<16xi32>
      %get3A_204 = arith.constant 1 : i32
      %get3A_205 = arith.index_cast %get3A_204 : i32 to index
      %get3A_206 = arith.constant 16 : index
      %get3A_207 = tpu.vector_load %arg5[%get3A_205, %get3A_206] {strides = array<i32>} : memref<2x128xi32, #tpu.memory_space<vmem>>, vector<16xi32>,
      tpu.vector_store_idx %arg7[%mul3A_203], %get3A_207 : memref<512xi32, #tpu.memory_space<vmem>>[vector<16xi32>], vector<16xi32>,
      %add3A_208 = arith.constant 1 : i32
      %add3A_209 = vector.broadcast %add3A_208 : i32 to vector<16xi32>
      %add3A_210 = arith.addi %mul3A_203, %add3A_209 : vector<16xi32>
      %get3A_211 = arith.constant 1 : i32
      %get3A_212 = arith.index_cast %get3A_211 : i32 to index
      %get3A_213 = arith.constant 16 : index
      %get3A_214 = tpu.vector_load %arg6[%get3A_212, %get3A_213] {strides = array<i32>} : memref<2x128xi32, #tpu.memory_space<vmem>>, vector<16xi32>,
      tpu.vector_store_idx %arg7[%add3A_210], %get3A_214 : memref<512xi32, #tpu.memory_space<vmem>>[vector<16xi32>], vector<16xi32>,
      %add3A_215 = arith.constant 160 : i32
      %add3A_216 = vector.broadcast %add3A_215 : i32 to vector<16xi32>
      %add3A_217 = arith.addi %add3A_216, %iota3A : vector<16xi32>
      %mul3A_218 = arith.constant 2 : i32
      %mul3A_219 = vector.broadcast %mul3A_218 : i32 to vector<16xi32>
      %mul3A_220 = arith.muli %mul3A_219, %add3A_217 : vector<16xi32>
      %get3A_221 = arith.constant 1 : i32
      %get3A_222 = arith.index_cast %get3A_221 : i32 to index
      %get3A_223 = arith.constant 32 : index
      %get3A_224 = tpu.vector_load %arg5[%get3A_222, %get3A_223] {strides = array<i32>} : memref<2x128xi32, #tpu.memory_space<vmem>>, vector<16xi32>,
      tpu.vector_store_idx %arg7[%mul3A_220], %get3A_224 : memref<512xi32, #tpu.memory_space<vmem>>[vector<16xi32>], vector<16xi32>,
      %add3A_225 = arith.constant 1 : i32
      %add3A_226 = vector.broadcast %add3A_225 : i32 to vector<16xi32>
      %add3A_227 = arith.addi %mul3A_220, %add3A_226 : vector<16xi32>
      %get3A_228 = arith.constant 1 : i32
      %get3A_229 = arith.index_cast %get3A_228 : i32 to index
      %get3A_230 = arith.constant 32 : index
      %get3A_231 = tpu.vector_load %arg6[%get3A_229, %get3A_230] {strides = array<i32>} : memref<2x128xi32, #tpu.memory_space<vmem>>, vector<16xi32>,
      tpu.vector_store_idx %arg7[%add3A_227], %get3A_231 : memref<512xi32, #tpu.memory_space<vmem>>[vector<16xi32>], vector<16xi32>,
      %add3A_232 = arith.constant 176 : i32
      %add3A_233 = vector.broadcast %add3A_232 : i32 to vector<16xi32>
      %add3A_234 = arith.addi %add3A_233, %iota3A : vector<16xi32>
      %mul3A_235 = arith.constant 2 : i32
      %mul3A_236 = vector.broadcast %mul3A_235 : i32 to vector<16xi32>
      %mul3A_237 = arith.muli %mul3A_236, %add3A_234 : vector<16xi32>
      %get3A_238 = arith.constant 1 : i32
      %get3A_239 = arith.index_cast %get3A_238 : i32 to index
      %get3A_240 = arith.constant 48 : index
      %get3A_241 = tpu.vector_load %arg5[%get3A_239, %get3A_240] {strides = array<i32>} : memref<2x128xi32, #tpu.memory_space<vmem>>, vector<16xi32>,
      tpu.vector_store_idx %arg7[%mul3A_237], %get3A_241 : memref<512xi32, #tpu.memory_space<vmem>>[vector<16xi32>], vector<16xi32>,
      %add3A_242 = arith.constant 1 : i32
      %add3A_243 = vector.broadcast %add3A_242 : i32 to vector<16xi32>
      %add3A_244 = arith.addi %mul3A_237, %add3A_243 : vector<16xi32>
      %get3A_245 = arith.constant 1 : i32
      %get3A_246 = arith.index_cast %get3A_245 : i32 to index
      %get3A_247 = arith.constant 48 : index
      %get3A_248 = tpu.vector_load %arg6[%get3A_246, %get3A_247] {strides = array<i32>} : memref<2x128xi32, #tpu.memory_space<vmem>>, vector<16xi32>,
      tpu.vector_store_idx %arg7[%add3A_244], %get3A_248 : memref<512xi32, #tpu.memory_space<vmem>>[vector<16xi32>], vector<16xi32>,
      %add3A_249 = arith.constant 192 : i32
      %add3A_250 = vector.broadcast %add3A_249 : i32 to vector<16xi32>
      %add3A_251 = arith.addi %add3A_250, %iota3A : vector<16xi32>
      %mul3A_252 = arith.constant 2 : i32
      %mul3A_253 = vector.broadcast %mul3A_252 : i32 to vector<16xi32>
      %mul3A_254 = arith.muli %mul3A_253, %add3A_251 : vector<16xi32>
      %get3A_255 = arith.constant 1 : i32
      %get3A_256 = arith.index_cast %get3A_255 : i32 to index
      %get3A_257 = arith.constant 64 : index
      %get3A_258 = tpu.vector_load %arg5[%get3A_256, %get3A_257] {strides = array<i32>} : memref<2x128xi32, #tpu.memory_space<vmem>>, vector<16xi32>,
      tpu.vector_store_idx %arg7[%mul3A_254], %get3A_258 : memref<512xi32, #tpu.memory_space<vmem>>[vector<16xi32>], vector<16xi32>,
      %add3A_259 = arith.constant 1 : i32
      %add3A_260 = vector.broadcast %add3A_259 : i32 to vector<16xi32>
      %add3A_261 = arith.addi %mul3A_254, %add3A_260 : vector<16xi32>
      %get3A_262 = arith.constant 1 : i32
      %get3A_263 = arith.index_cast %get3A_262 : i32 to index
      %get3A_264 = arith.constant 64 : index
      %get3A_265 = tpu.vector_load %arg6[%get3A_263, %get3A_264] {strides = array<i32>} : memref<2x128xi32, #tpu.memory_space<vmem>>, vector<16xi32>,
      tpu.vector_store_idx %arg7[%add3A_261], %get3A_265 : memref<512xi32, #tpu.memory_space<vmem>>[vector<16xi32>], vector<16xi32>,
      %add3A_266 = arith.constant 208 : i32
      %add3A_267 = vector.broadcast %add3A_266 : i32 to vector<16xi32>
      %add3A_268 = arith.addi %add3A_267, %iota3A : vector<16xi32>
      %mul3A_269 = arith.constant 2 : i32
      %mul3A_270 = vector.broadcast %mul3A_269 : i32 to vector<16xi32>
      %mul3A_271 = arith.muli %mul3A_270, %add3A_268 : vector<16xi32>
      %get3A_272 = arith.constant 1 : i32
      %get3A_273 = arith.index_cast %get3A_272 : i32 to index
      %get3A_274 = arith.constant 80 : index
      %get3A_275 = tpu.vector_load %arg5[%get3A_273, %get3A_274] {strides = array<i32>} : memref<2x128xi32, #tpu.memory_space<vmem>>, vector<16xi32>,
      tpu.vector_store_idx %arg7[%mul3A_271], %get3A_275 : memref<512xi32, #tpu.memory_space<vmem>>[vector<16xi32>], vector<16xi32>,
      %add3A_276 = arith.constant 1 : i32
      %add3A_277 = vector.broadcast %add3A_276 : i32 to vector<16xi32>
      %add3A_278 = arith.addi %mul3A_271, %add3A_277 : vector<16xi32>
      %get3A_279 = arith.constant 1 : i32
      %get3A_280 = arith.index_cast %get3A_279 : i32 to index
      %get3A_281 = arith.constant 80 : index
      %get3A_282 = tpu.vector_load %arg6[%get3A_280, %get3A_281] {strides = array<i32>} : memref<2x128xi32, #tpu.memory_space<vmem>>, vector<16xi32>,
      tpu.vector_store_idx %arg7[%add3A_278], %get3A_282 : memref<512xi32, #tpu.memory_space<vmem>>[vector<16xi32>], vector<16xi32>,
      %add3A_283 = arith.constant 224 : i32
      %add3A_284 = vector.broadcast %add3A_283 : i32 to vector<16xi32>
      %add3A_285 = arith.addi %add3A_284, %iota3A : vector<16xi32>
      %mul3A_286 = arith.constant 2 : i32
      %mul3A_287 = vector.broadcast %mul3A_286 : i32 to vector<16xi32>
      %mul3A_288 = arith.muli %mul3A_287, %add3A_285 : vector<16xi32>
      %get3A_289 = arith.constant 1 : i32
      %get3A_290 = arith.index_cast %get3A_289 : i32 to index
      %get3A_291 = arith.constant 96 : index
      %get3A_292 = tpu.vector_load %arg5[%get3A_290, %get3A_291] {strides = array<i32>} : memref<2x128xi32, #tpu.memory_space<vmem>>, vector<16xi32>,
      tpu.vector_store_idx %arg7[%mul3A_288], %get3A_292 : memref<512xi32, #tpu.memory_space<vmem>>[vector<16xi32>], vector<16xi32>,
      %add3A_293 = arith.constant 1 : i32
      %add3A_294 = vector.broadcast %add3A_293 : i32 to vector<16xi32>
      %add3A_295 = arith.addi %mul3A_288, %add3A_294 : vector<16xi32>
      %get3A_296 = arith.constant 1 : i32
      %get3A_297 = arith.index_cast %get3A_296 : i32 to index
      %get3A_298 = arith.constant 96 : index
      %get3A_299 = tpu.vector_load %arg6[%get3A_297, %get3A_298] {strides = array<i32>} : memref<2x128xi32, #tpu.memory_space<vmem>>, vector<16xi32>,
      tpu.vector_store_idx %arg7[%add3A_295], %get3A_299 : memref<512xi32, #tpu.memory_space<vmem>>[vector<16xi32>], vector<16xi32>,
      %add3A_300 = arith.constant 240 : i32
      %add3A_301 = vector.broadcast %add3A_300 : i32 to vector<16xi32>
      %add3A_302 = arith.addi %add3A_301, %iota3A : vector<16xi32>
      %mul3A_303 = arith.constant 2 : i32
      %mul3A_304 = vector.broadcast %mul3A_303 : i32 to vector<16xi32>
      %mul3A_305 = arith.muli %mul3A_304, %add3A_302 : vector<16xi32>
      %get3A_306 = arith.constant 1 : i32
      %get3A_307 = arith.index_cast %get3A_306 : i32 to index
      %get3A_308 = arith.constant 112 : index
      %get3A_309 = tpu.vector_load %arg5[%get3A_307, %get3A_308] {strides = array<i32>} : memref<2x128xi32, #tpu.memory_space<vmem>>, vector<16xi32>,
      tpu.vector_store_idx %arg7[%mul3A_305], %get3A_309 : memref<512xi32, #tpu.memory_space<vmem>>[vector<16xi32>], vector<16xi32>,
      %add3A_310 = arith.constant 1 : i32
      %add3A_311 = vector.broadcast %add3A_310 : i32 to vector<16xi32>
      %add3A_312 = arith.addi %mul3A_305, %add3A_311 : vector<16xi32>
      %get3A_313 = arith.constant 1 : i32
      %get3A_314 = arith.index_cast %get3A_313 : i32 to index
      %get3A_315 = arith.constant 112 : index
      %get3A_316 = tpu.vector_load %arg6[%get3A_314, %get3A_315] {strides = array<i32>} : memref<2x128xi32, #tpu.memory_space<vmem>>, vector<16xi32>,
      tpu.vector_store_idx %arg7[%add3A_312], %get3A_316 : memref<512xi32, #tpu.memory_space<vmem>>[vector<16xi32>], vector<16xi32>,
      %dma_start3A = arith.constant 0 : i32
      %dma_start3A_317 = arith.constant 0 : i32
      %dma_start3A_318 = tpu.memref_slice %arg8[%dma_start3A, %dma_start3A_317] : memref<512x64xf32, #tpu.memory_space<vmem>> -> memref<128x64xf32, #tpu.memory_space<vmem>>
      %dma_start3A_319 = arith.constant 0 : i32
      %dma_start3A_320 = tpu.memref_slice %arg7[%dma_start3A_319] : memref<512xi32, #tpu.memory_space<vmem>> -> memref<128xi32, #tpu.memory_space<vmem>>
      %dma_start3A_321 = arith.constant 0 : i32
      %dma_start3A_322 = arith.constant 0 : i32
      %dma_start3A_323 = tpu.memref_slice %arg3[%dma_start3A_321, %dma_start3A_322] : memref<1000000x64xf32, #tpu.memory_space<hbm>> -> memref<1000000x64xf32, #tpu.memory_space<hbm>>
      tpu.enqueue_indirect_dma source(%dma_start3A_323 : memref<1000000x64xf32, #tpu.memory_space<hbm>>) target(%dma_start3A_318 : memref<128x64xf32, #tpu.memory_space<vmem>>) offsets(%dma_start3A_320 : memref<128xi32, #tpu.memory_space<vmem>>) semaphore(%arg9 : memref<!tpu.dma_semaphore, #tpu.memory_space<semaphore_mem>>)
      %dma_start3A_324 = arith.constant 128 : i32
      %dma_start3A_325 = arith.constant 0 : i32
      %dma_start3A_326 = tpu.memref_slice %arg8[%dma_start3A_324, %dma_start3A_325] : memref<512x64xf32, #tpu.memory_space<vmem>> -> memref<128x64xf32, #tpu.memory_space<vmem>>
      %dma_start3A_327 = arith.constant 128 : i32
      %dma_start3A_328 = tpu.memref_slice %arg7[%dma_start3A_327] : memref<512xi32, #tpu.memory_space<vmem>> -> memref<128xi32, #tpu.memory_space<vmem>>
      %dma_start3A_329 = arith.constant 0 : i32
      %dma_start3A_330 = arith.constant 0 : i32
      %dma_start3A_331 = tpu.memref_slice %arg3[%dma_start3A_329, %dma_start3A_330] : memref<1000000x64xf32, #tpu.memory_space<hbm>> -> memref<1000000x64xf32, #tpu.memory_space<hbm>>
      tpu.enqueue_indirect_dma source(%dma_start3A_331 : memref<1000000x64xf32, #tpu.memory_space<hbm>>) target(%dma_start3A_326 : memref<128x64xf32, #tpu.memory_space<vmem>>) offsets(%dma_start3A_328 : memref<128xi32, #tpu.memory_space<vmem>>) semaphore(%arg9 : memref<!tpu.dma_semaphore, #tpu.memory_space<semaphore_mem>>)
      %dma_start3A_332 = arith.constant 256 : i32
      %dma_start3A_333 = arith.constant 0 : i32
      %dma_start3A_334 = tpu.memref_slice %arg8[%dma_start3A_332, %dma_start3A_333] : memref<512x64xf32, #tpu.memory_space<vmem>> -> memref<128x64xf32, #tpu.memory_space<vmem>>
      %dma_start3A_335 = arith.constant 256 : i32
      %dma_start3A_336 = tpu.memref_slice %arg7[%dma_start3A_335] : memref<512xi32, #tpu.memory_space<vmem>> -> memref<128xi32, #tpu.memory_space<vmem>>
      %dma_start3A_337 = arith.constant 0 : i32
      %dma_start3A_338 = arith.constant 0 : i32
      %dma_start3A_339 = tpu.memref_slice %arg3[%dma_start3A_337, %dma_start3A_338] : memref<1000000x64xf32, #tpu.memory_space<hbm>> -> memref<1000000x64xf32, #tpu.memory_space<hbm>>
      tpu.enqueue_indirect_dma source(%dma_start3A_339 : memref<1000000x64xf32, #tpu.memory_space<hbm>>) target(%dma_start3A_334 : memref<128x64xf32, #tpu.memory_space<vmem>>) offsets(%dma_start3A_336 : memref<128xi32, #tpu.memory_space<vmem>>) semaphore(%arg9 : memref<!tpu.dma_semaphore, #tpu.memory_space<semaphore_mem>>)
      %dma_start3A_340 = arith.constant 384 : i32
      %dma_start3A_341 = arith.constant 0 : i32
      %dma_start3A_342 = tpu.memref_slice %arg8[%dma_start3A_340, %dma_start3A_341] : memref<512x64xf32, #tpu.memory_space<vmem>> -> memref<128x64xf32, #tpu.memory_space<vmem>>
      %dma_start3A_343 = arith.constant 384 : i32
      %dma_start3A_344 = tpu.memref_slice %arg7[%dma_start3A_343] : memref<512xi32, #tpu.memory_space<vmem>> -> memref<128xi32, #tpu.memory_space<vmem>>
      %dma_start3A_345 = arith.constant 0 : i32
      %dma_start3A_346 = arith.constant 0 : i32
      %dma_start3A_347 = tpu.memref_slice %arg3[%dma_start3A_345, %dma_start3A_346] : memref<1000000x64xf32, #tpu.memory_space<hbm>> -> memref<1000000x64xf32, #tpu.memory_space<hbm>>
      tpu.enqueue_indirect_dma source(%dma_start3A_347 : memref<1000000x64xf32, #tpu.memory_space<hbm>>) target(%dma_start3A_342 : memref<128x64xf32, #tpu.memory_space<vmem>>) offsets(%dma_start3A_344 : memref<128xi32, #tpu.memory_space<vmem>>) semaphore(%arg9 : memref<!tpu.dma_semaphore, #tpu.memory_space<semaphore_mem>>)
      %dma_wait3A = arith.constant 0 : i32
      %dma_wait3A_348 = arith.constant 0 : i32
      %dma_wait3A_349 = tpu.memref_slice %arg8[%dma_wait3A, %dma_wait3A_348] : memref<512x64xf32, #tpu.memory_space<vmem>> -> memref<128x64xf32, #tpu.memory_space<vmem>>
      %dma_wait3A_350 = arith.constant 0 : i32
      %dma_wait3A_351 = tpu.memref_slice %arg7[%dma_wait3A_350] : memref<512xi32, #tpu.memory_space<vmem>> -> memref<128xi32, #tpu.memory_space<vmem>>
      %dma_wait3A_352 = arith.constant 0 : i32
      %dma_wait3A_353 = arith.constant 0 : i32
      %dma_wait3A_354 = tpu.memref_slice %arg3[%dma_wait3A_352, %dma_wait3A_353] : memref<1000000x64xf32, #tpu.memory_space<hbm>> -> memref<1000000x64xf32, #tpu.memory_space<hbm>>
      tpu.wait_indirect_dma semaphore(%arg9 : memref<!tpu.dma_semaphore, #tpu.memory_space<semaphore_mem>>) src(%dma_wait3A_354 : memref<1000000x64xf32, #tpu.memory_space<hbm>>) dst(%dma_wait3A_349 : memref<128x64xf32, #tpu.memory_space<vmem>>)
      %dma_wait3A_355 = arith.constant 128 : i32
      %dma_wait3A_356 = arith.constant 0 : i32
      %dma_wait3A_357 = tpu.memref_slice %arg8[%dma_wait3A_355, %dma_wait3A_356] : memref<512x64xf32, #tpu.memory_space<vmem>> -> memref<128x64xf32, #tpu.memory_space<vmem>>
      %dma_wait3A_358 = arith.constant 128 : i32
      %dma_wait3A_359 = tpu.memref_slice %arg7[%dma_wait3A_358] : memref<512xi32, #tpu.memory_space<vmem>> -> memref<128xi32, #tpu.memory_space<vmem>>
      %dma_wait3A_360 = arith.constant 0 : i32
      %dma_wait3A_361 = arith.constant 0 : i32
      %dma_wait3A_362 = tpu.memref_slice %arg3[%dma_wait3A_360, %dma_wait3A_361] : memref<1000000x64xf32, #tpu.memory_space<hbm>> -> memref<1000000x64xf32, #tpu.memory_space<hbm>>
      tpu.wait_indirect_dma semaphore(%arg9 : memref<!tpu.dma_semaphore, #tpu.memory_space<semaphore_mem>>) src(%dma_wait3A_362 : memref<1000000x64xf32, #tpu.memory_space<hbm>>) dst(%dma_wait3A_357 : memref<128x64xf32, #tpu.memory_space<vmem>>)
      %dma_wait3A_363 = arith.constant 256 : i32
      %dma_wait3A_364 = arith.constant 0 : i32
      %dma_wait3A_365 = tpu.memref_slice %arg8[%dma_wait3A_363, %dma_wait3A_364] : memref<512x64xf32, #tpu.memory_space<vmem>> -> memref<128x64xf32, #tpu.memory_space<vmem>>
      %dma_wait3A_366 = arith.constant 256 : i32
      %dma_wait3A_367 = tpu.memref_slice %arg7[%dma_wait3A_366] : memref<512xi32, #tpu.memory_space<vmem>> -> memref<128xi32, #tpu.memory_space<vmem>>
      %dma_wait3A_368 = arith.constant 0 : i32
      %dma_wait3A_369 = arith.constant 0 : i32
      %dma_wait3A_370 = tpu.memref_slice %arg3[%dma_wait3A_368, %dma_wait3A_369] : memref<1000000x64xf32, #tpu.memory_space<hbm>> -> memref<1000000x64xf32, #tpu.memory_space<hbm>>
      tpu.wait_indirect_dma semaphore(%arg9 : memref<!tpu.dma_semaphore, #tpu.memory_space<semaphore_mem>>) src(%dma_wait3A_370 : memref<1000000x64xf32, #tpu.memory_space<hbm>>) dst(%dma_wait3A_365 : memref<128x64xf32, #tpu.memory_space<vmem>>)
      %dma_wait3A_371 = arith.constant 384 : i32
      %dma_wait3A_372 = arith.constant 0 : i32
      %dma_wait3A_373 = tpu.memref_slice %arg8[%dma_wait3A_371, %dma_wait3A_372] : memref<512x64xf32, #tpu.memory_space<vmem>> -> memref<128x64xf32, #tpu.memory_space<vmem>>
      %dma_wait3A_374 = arith.constant 384 : i32
      %dma_wait3A_375 = tpu.memref_slice %arg7[%dma_wait3A_374] : memref<512xi32, #tpu.memory_space<vmem>> -> memref<128xi32, #tpu.memory_space<vmem>>
      %dma_wait3A_376 = arith.constant 0 : i32
      %dma_wait3A_377 = arith.constant 0 : i32
      %dma_wait3A_378 = tpu.memref_slice %arg3[%dma_wait3A_376, %dma_wait3A_377] : memref<1000000x64xf32, #tpu.memory_space<hbm>> -> memref<1000000x64xf32, #tpu.memory_space<hbm>>
      tpu.wait_indirect_dma semaphore(%arg9 : memref<!tpu.dma_semaphore, #tpu.memory_space<semaphore_mem>>) src(%dma_wait3A_378 : memref<1000000x64xf32, #tpu.memory_space<hbm>>) dst(%dma_wait3A_373 : memref<128x64xf32, #tpu.memory_space<vmem>>)
      %mul3A_379 = arith.constant 512 : i32
      %mul3A_380 = arith.muli %add3A_9, %mul3A_379 : i32
      "tpu.region"() ({
        %run_scoped3A = tpu.sem_alloc : memref<!tpu.dma_semaphore, #tpu.memory_space<semaphore_mem>>
        %dma_start3A_381 = arith.constant 0 : i32
        %dma_start3A_382 = tpu.memref_slice %arg4[%mul3A_380, %dma_start3A_381] : memref<212992x64xf32, #tpu.memory_space<hbm>> -> memref<512x64xf32, #tpu.memory_space<hbm>>
        %dma_start3A_383 = arith.constant 0 : i32
        %dma_start3A_384 = tpu.memref_slice %arg4[%mul3A_380, %dma_start3A_383] : memref<212992x64xf32, #tpu.memory_space<hbm>> -> memref<512x64xf32, #tpu.memory_space<hbm>>
        tpu.enqueue_dma source(%arg8 : memref<512x64xf32, #tpu.memory_space<vmem>>) target(%dma_start3A_384 : memref<512x64xf32, #tpu.memory_space<hbm>>) target_semaphore(%run_scoped3A : memref<!tpu.dma_semaphore, #tpu.memory_space<semaphore_mem>>)
        %dma_wait3A_385 = arith.constant 0 : i32
        %dma_wait3A_386 = tpu.memref_slice %arg4[%mul3A_380, %dma_wait3A_385] : memref<212992x64xf32, #tpu.memory_space<hbm>> -> memref<512x64xf32, #tpu.memory_space<hbm>>
        %dma_wait3A_387 = arith.constant 0 : i32
        %dma_wait3A_388 = tpu.memref_slice %arg4[%mul3A_380, %dma_wait3A_387] : memref<212992x64xf32, #tpu.memory_space<hbm>> -> memref<512x64xf32, #tpu.memory_space<hbm>>
        tpu.wait_dma2 semaphore(%run_scoped3A : memref<!tpu.dma_semaphore, #tpu.memory_space<semaphore_mem>>) src(%arg8 : memref<512x64xf32, #tpu.memory_space<vmem>>) dst(%dma_wait3A_388 : memref<512x64xf32, #tpu.memory_space<hbm>>)
        tpu.yield
      }) : () -> ()
    }
    %scan3A_5 = arith.constant 13 : i32
    return
  }
}

module attributes {stable_mosaic.version = 14 : i64} {
  func.func @_pack_body(%arg0: i32, %arg1: memref<64x16384xf32, #tpu.memory_space<vmem>>, %arg2: memref<64x576xf32, #tpu.memory_space<vmem>>, %arg3: memref<8192x128xf32, #tpu.memory_space<vmem>>) attributes {dimension_semantics = [#tpu.dimension_semantics<arbitrary>], iteration_bounds = array<i64: 62>, scalar_prefetch = 0 : i64, scratch_operands = 0 : i64, tpu.core_type = #tpu.core_type<tc>, window_params = [{transform_indices = @transform_0, window_bounds = array<i64: 64, 16384>}, {pipeline_mode = #tpu.pipeline_mode<synchronous>, transform_indices = @transform_1, window_bounds = array<i64: 64, 576>}, {transform_indices = @transform_2, window_bounds = array<i64: 8192, 128>}]} {
    %lt3A = arith.constant 61 : i32
    %lt3A_0 = arith.cmpi slt, %arg0, %lt3A : i32
    %convert_element_type3A = arith.extui %lt3A_0 : i1 to i32
    %cond3A = arith.constant 0 : i32
    %cond3A_1 = arith.cmpi ne, %convert_element_type3A, %cond3A : i32
    scf.if %cond3A_1 {
      %get3A = arith.constant 0 : index
      %get3A_6 = arith.constant 0 : index
      %get3A_7 = vector.load %arg1[%get3A, %get3A_6] : memref<64x16384xf32, #tpu.memory_space<vmem>>, vector<64x16384xf32>
      %slice3A = vector.extract_strided_slice %get3A_7 {offsets = [0, 0], sizes = [64, 8192], strides = [1, 1]} : vector<64x16384xf32> to vector<64x8192xf32>
      %slice3A_8 = vector.extract_strided_slice %get3A_7 {offsets = [0, 8192], sizes = [64, 8192], strides = [1, 1]} : vector<64x16384xf32> to vector<64x8192xf32>
      %concatenate3A = tpu.concatenate %slice3A, %slice3A_8 in 0 : vector<64x8192xf32>, vector<64x8192xf32> -> vector<128x8192xf32>
      %transpose3A = tpu.transpose %concatenate3A, [1, 0] : vector<128x8192xf32> -> vector<8192x128xf32>
      %swap3A = arith.constant 0 : index
      %swap3A_9 = arith.constant 0 : index
      %swap3A_10 = vector.load %arg3[%swap3A, %swap3A_9] : memref<8192x128xf32, #tpu.memory_space<vmem>>, vector<8192x128xf32>
      tpu.vector_store %arg3[%swap3A, %swap3A_9], %transpose3A {strides = array<i32>} : memref<8192x128xf32, #tpu.memory_space<vmem>>, vector<8192x128xf32>,
    } else {
    }
    %eq3A = arith.constant 61 : i32
    %eq3A_2 = arith.cmpi eq, %arg0, %eq3A : i32
    %convert_element_type3A_3 = arith.extui %eq3A_2 : i1 to i32
    %cond3A_4 = arith.constant 0 : i32
    %cond3A_5 = arith.cmpi ne, %convert_element_type3A_3, %cond3A_4 : i32
    scf.if %cond3A_5 {
      %get3A = arith.constant 0 : index
      %get3A_6 = arith.constant 0 : index
      %get3A_7 = vector.load %arg2[%get3A, %get3A_6] : memref<64x576xf32, #tpu.memory_space<vmem>>, vector<64x576xf32>
      %slice3A = vector.extract_strided_slice %get3A_7 {offsets = [0, 0], sizes = [64, 288], strides = [1, 1]} : vector<64x576xf32> to vector<64x288xf32>
      %slice3A_8 = vector.extract_strided_slice %get3A_7 {offsets = [0, 288], sizes = [64, 288], strides = [1, 1]} : vector<64x576xf32> to vector<64x288xf32>
      %concatenate3A = tpu.concatenate %slice3A, %slice3A_8 in 0 : vector<64x288xf32>, vector<64x288xf32> -> vector<128x288xf32>
      %transpose3A = tpu.transpose %concatenate3A, [1, 0] : vector<128x288xf32> -> vector<288x128xf32>
      %swap3A = arith.constant 0 : index
      %swap3A_9 = arith.constant 0 : index
      %swap3A_10 = vector.load %arg3[%swap3A, %swap3A_9] : memref<8192x128xf32, #tpu.memory_space<vmem>>, vector<288x128xf32>
      tpu.vector_store %arg3[%swap3A, %swap3A_9], %transpose3A {strides = array<i32>} : memref<8192x128xf32, #tpu.memory_space<vmem>>, vector<288x128xf32>,
    } else {
    }
    return
  }
  func.func @transform_0(%arg0: i32) -> (i32, i32) {
    %min3A = arith.constant 60 : i32
    %min3A_0 = arith.minsi %arg0, %min3A : i32
    %c0_i32 = arith.constant 0 : i32
    %c0_i32_1 = arith.constant 0 : i32
    return %c0_i32, %min3A_0 : i32, i32
  }
  func.func @transform_1(%arg0: i32) -> (i32, i32) {
    %c0_i32 = arith.constant 0 : i32
    %c0_i32_0 = arith.constant 0 : i32
    %c0_i32_1 = arith.constant 0 : i32
    return %c0_i32, %c0_i32_0 : i32, i32
  }
  func.func @transform_2(%arg0: i32) -> (i32, i32) {
    %c0_i32 = arith.constant 0 : i32
    %c0_i32_0 = arith.constant 0 : i32
    return %arg0, %c0_i32 : i32, i32
  }
}

module attributes {stable_mosaic.version = 14 : i64} {
  func.func @mlp_0(%arg0: i32, %arg1: memref<8192x128xf32, #tpu.memory_space<vmem>>, %arg2: memref<128x64xf32, #tpu.memory_space<vmem>>, %arg3: memref<128x64xf32, #tpu.memory_space<vmem>>, %arg4: memref<1x64xf32, #tpu.memory_space<vmem>>, %arg5: memref<64x64xf32, #tpu.memory_space<vmem>>, %arg6: memref<64x1xf32, #tpu.memory_space<vmem>>, %arg7: memref<1x64x16384xf32, #tpu.memory_space<vmem>>) attributes {dimension_semantics = [#tpu.dimension_semantics<arbitrary>], iteration_bounds = array<i64: 13>, scalar_prefetch = 0 : i64, scratch_operands = 0 : i64, tpu.core_type = #tpu.core_type<tc>, window_params = [{transform_indices = @transform_0, window_bounds = array<i64: 8192, 128>}, {pipeline_mode = #tpu.pipeline_mode<synchronous>, transform_indices = @transform_1, window_bounds = array<i64: 128, 64>}, {pipeline_mode = #tpu.pipeline_mode<synchronous>, transform_indices = @transform_2, window_bounds = array<i64: 128, 64>}, {pipeline_mode = #tpu.pipeline_mode<synchronous>, transform_indices = @transform_3, window_bounds = array<i64: 1, 64>}, {pipeline_mode = #tpu.pipeline_mode<synchronous>, transform_indices = @transform_4, window_bounds = array<i64: 64, 64>}, {pipeline_mode = #tpu.pipeline_mode<synchronous>, transform_indices = @transform_5, window_bounds = array<i64: 64, 1>}, {transform_indices = @transform_6, window_bounds = array<i64: 1, 64, 16384>}]} {
    %get3A = arith.constant 0 : index
    %get3A_0 = arith.constant 0 : index
    %get3A_1 = vector.load %arg1[%get3A, %get3A_0] : memref<8192x128xf32, #tpu.memory_space<vmem>>, vector<8192x128xf32>
    %get3A_2 = arith.constant 0 : index
    %get3A_3 = arith.constant 0 : index
    %get3A_4 = vector.load %arg4[%get3A_2, %get3A_3] : memref<1x64xf32, #tpu.memory_space<vmem>>, vector<1x64xf32>
    %get3A_5 = arith.constant 0 : index
    %get3A_6 = arith.constant 0 : index
    %get3A_7 = vector.load %arg6[%get3A_5, %get3A_6] : memref<64x1xf32, #tpu.memory_space<vmem>>, vector<64x1xf32>
    %get3A_8 = arith.constant 0 : index
    %get3A_9 = arith.constant 0 : index
    %get3A_10 = vector.load %arg5[%get3A_8, %get3A_9] : memref<64x64xf32, #tpu.memory_space<vmem>>, vector<64x64xf32>
    %get3A_11 = arith.constant 0 : index
    %get3A_12 = arith.constant 0 : index
    %get3A_13 = vector.load %arg2[%get3A_11, %get3A_12] : memref<128x64xf32, #tpu.memory_space<vmem>>, vector<128x64xf32>
    %dot_general3A = arith.constant dense<0.000000e+00> : vector<8192x64xf32>
    %dot_general3A_14 = tpu.matmul %get3A_1, %get3A_13, %dot_general3A {dimension_numbers = #tpu.dot_dimension_numbers<[1], [0], [0], [1], [0, 0, 1, 1], [], []>, transpose_lhs_hint = false} : vector<8192x128xf32>, vector<128x64xf32>, vector<8192x64xf32> -> vector<8192x64xf32>
    %add3A = vector.broadcast %get3A_4 : vector<1x64xf32> to vector<8192x64xf32>
    %add3A_15 = arith.addf %dot_general3A_14, %add3A : vector<8192x64xf32>
    %mul3A = arith.constant 5.000000e-01 : f32
    %mul3A_16 = vector.broadcast %mul3A : f32 to vector<8192x64xf32>
    %mul3A_17 = arith.mulf %add3A_15, %mul3A_16 : vector<8192x64xf32>
    %mul3A_18 = arith.constant 0.707106769 : f32
    %mul3A_19 = vector.broadcast %mul3A_18 : f32 to vector<8192x64xf32>
    %mul3A_20 = arith.mulf %add3A_15, %mul3A_19 : vector<8192x64xf32>
    %erf3A = math.erf %mul3A_20 : vector<8192x64xf32>
    %add3A_21 = arith.constant 1.000000e+00 : f32
    %add3A_22 = vector.broadcast %add3A_21 : f32 to vector<8192x64xf32>
    %add3A_23 = arith.addf %add3A_22, %erf3A : vector<8192x64xf32>
    %mul3A_24 = arith.mulf %mul3A_17, %add3A_23 : vector<8192x64xf32>
    %dot_general3A_25 = arith.constant dense<0.000000e+00> : vector<64x8192xf32>
    %dot_general3A_26 = tpu.matmul %get3A_10, %mul3A_24, %dot_general3A_25 {dimension_numbers = #tpu.dot_dimension_numbers<[1], [1], [0], [0], [0, 0, 1, 0], [], []>, transpose_lhs_hint = false} : vector<64x64xf32>, vector<8192x64xf32>, vector<64x8192xf32> -> vector<64x8192xf32>
    %add3A_27 = vector.broadcast %get3A_7 : vector<64x1xf32> to vector<64x8192xf32>
    %add3A_28 = arith.addf %dot_general3A_26, %add3A_27 : vector<64x8192xf32>
    %swap3A = arith.constant 0 : index
    %swap3A_29 = arith.constant 0 : index
    %swap3A_30 = arith.constant 0 : index
    %swap3A_31 = vector.load %arg7[%swap3A, %swap3A_29, %swap3A_30] : memref<1x64x16384xf32, #tpu.memory_space<vmem>>, vector<1x64x8192xf32>
    %swap3A_32 = vector.shape_cast %swap3A_31 : vector<1x64x8192xf32> to vector<64x8192xf32>
    %swap3A_33 = vector.shape_cast %add3A_28 : vector<64x8192xf32> to vector<1x64x8192xf32>
    tpu.vector_store %arg7[%swap3A, %swap3A_29, %swap3A_30], %swap3A_33 {strides = array<i32>} : memref<1x64x16384xf32, #tpu.memory_space<vmem>>, vector<1x64x8192xf32>,
    %get3A_34 = arith.constant 0 : index
    %get3A_35 = arith.constant 0 : index
    %get3A_36 = vector.load %arg3[%get3A_34, %get3A_35] : memref<128x64xf32, #tpu.memory_space<vmem>>, vector<128x64xf32>
    %dot_general3A_37 = arith.constant dense<0.000000e+00> : vector<8192x64xf32>
    %dot_general3A_38 = tpu.matmul %get3A_1, %get3A_36, %dot_general3A_37 {dimension_numbers = #tpu.dot_dimension_numbers<[1], [0], [0], [1], [0, 0, 1, 1], [], []>, transpose_lhs_hint = false} : vector<8192x128xf32>, vector<128x64xf32>, vector<8192x64xf32> -> vector<8192x64xf32>
    %add3A_39 = vector.broadcast %get3A_4 : vector<1x64xf32> to vector<8192x64xf32>
    %add3A_40 = arith.addf %dot_general3A_38, %add3A_39 : vector<8192x64xf32>
    %mul3A_41 = arith.constant 5.000000e-01 : f32
    %mul3A_42 = vector.broadcast %mul3A_41 : f32 to vector<8192x64xf32>
    %mul3A_43 = arith.mulf %add3A_40, %mul3A_42 : vector<8192x64xf32>
    %mul3A_44 = arith.constant 0.707106769 : f32
    %mul3A_45 = vector.broadcast %mul3A_44 : f32 to vector<8192x64xf32>
    %mul3A_46 = arith.mulf %add3A_40, %mul3A_45 : vector<8192x64xf32>
    %erf3A_47 = math.erf %mul3A_46 : vector<8192x64xf32>
    %add3A_48 = arith.constant 1.000000e+00 : f32
    %add3A_49 = vector.broadcast %add3A_48 : f32 to vector<8192x64xf32>
    %add3A_50 = arith.addf %add3A_49, %erf3A_47 : vector<8192x64xf32>
    %mul3A_51 = arith.mulf %mul3A_43, %add3A_50 : vector<8192x64xf32>
    %dot_general3A_52 = arith.constant dense<0.000000e+00> : vector<64x8192xf32>
    %dot_general3A_53 = tpu.matmul %get3A_10, %mul3A_51, %dot_general3A_52 {dimension_numbers = #tpu.dot_dimension_numbers<[1], [1], [0], [0], [0, 0, 1, 0], [], []>, transpose_lhs_hint = false} : vector<64x64xf32>, vector<8192x64xf32>, vector<64x8192xf32> -> vector<64x8192xf32>
    %add3A_54 = vector.broadcast %get3A_7 : vector<64x1xf32> to vector<64x8192xf32>
    %add3A_55 = arith.addf %dot_general3A_53, %add3A_54 : vector<64x8192xf32>
    %swap3A_56 = arith.constant 0 : index
    %swap3A_57 = arith.constant 0 : index
    %swap3A_58 = arith.constant 8192 : index
    %swap3A_59 = vector.load %arg7[%swap3A_56, %swap3A_57, %swap3A_58] : memref<1x64x16384xf32, #tpu.memory_space<vmem>>, vector<1x64x8192xf32>
    %swap3A_60 = vector.shape_cast %swap3A_59 : vector<1x64x8192xf32> to vector<64x8192xf32>
    %swap3A_61 = vector.shape_cast %add3A_55 : vector<64x8192xf32> to vector<1x64x8192xf32>
    tpu.vector_store %arg7[%swap3A_56, %swap3A_57, %swap3A_58], %swap3A_61 {strides = array<i32>} : memref<1x64x16384xf32, #tpu.memory_space<vmem>>, vector<1x64x8192xf32>,
    return
  }
  func.func @transform_0(%arg0: i32) -> (i32, i32) {
    %c0_i32 = arith.constant 0 : i32
    %c0_i32_0 = arith.constant 0 : i32
    return %arg0, %c0_i32 : i32, i32
  }
  func.func @transform_1(%arg0: i32) -> (i32, i32) {
    %c0_i32 = arith.constant 0 : i32
    %c0_i32_0 = arith.constant 0 : i32
    %c0_i32_1 = arith.constant 0 : i32
    return %c0_i32, %c0_i32_0 : i32, i32
  }
  func.func @transform_2(%arg0: i32) -> (i32, i32) {
    %c0_i32 = arith.constant 0 : i32
    %c0_i32_0 = arith.constant 0 : i32
    %c0_i32_1 = arith.constant 0 : i32
    return %c0_i32, %c0_i32_0 : i32, i32
  }
  func.func @transform_3(%arg0: i32) -> (i32, i32) {
    %c0_i32 = arith.constant 0 : i32
    %c0_i32_0 = arith.constant 0 : i32
    %c0_i32_1 = arith.constant 0 : i32
    return %c0_i32, %c0_i32_0 : i32, i32
  }
  func.func @transform_4(%arg0: i32) -> (i32, i32) {
    %c0_i32 = arith.constant 0 : i32
    %c0_i32_0 = arith.constant 0 : i32
    %c0_i32_1 = arith.constant 0 : i32
    return %c0_i32, %c0_i32_0 : i32, i32
  }
  func.func @transform_5(%arg0: i32) -> (i32, i32) {
    %c0_i32 = arith.constant 0 : i32
    %c0_i32_0 = arith.constant 0 : i32
    %c0_i32_1 = arith.constant 0 : i32
    return %c0_i32, %c0_i32_0 : i32, i32
  }
  func.func @transform_6(%arg0: i32) -> (i32, i32, i32) {
    %c0_i32 = arith.constant 0 : i32
    %c0_i32_0 = arith.constant 0 : i32
    %c0_i32_1 = arith.constant 0 : i32
    return %arg0, %c0_i32, %c0_i32_0 : i32, i32, i32
  }
}

module attributes {stable_mosaic.version = 14 : i64} {
  func.func @mlp_1(%arg0: i32, %arg1: memref<26x64x16384xf32, #tpu.memory_space<any>>, %arg2: memref<8192x128xf32, #tpu.memory_space<vmem>>, %arg3: memref<128x64xf32, #tpu.memory_space<vmem>>, %arg4: memref<128x64xf32, #tpu.memory_space<vmem>>, %arg5: memref<1x64xf32, #tpu.memory_space<vmem>>, %arg6: memref<64x64xf32, #tpu.memory_space<vmem>>, %arg7: memref<64x1xf32, #tpu.memory_space<vmem>>, %arg8: memref<1x64x16384xf32, #tpu.memory_space<vmem>>) attributes {dimension_semantics = [#tpu.dimension_semantics<arbitrary>], iteration_bounds = array<i64: 13>, scalar_prefetch = 0 : i64, scratch_operands = 0 : i64, tpu.core_type = #tpu.core_type<tc>, window_params = [{}, {transform_indices = @transform_1, window_bounds = array<i64: 8192, 128>}, {pipeline_mode = #tpu.pipeline_mode<synchronous>, transform_indices = @transform_2, window_bounds = array<i64: 128, 64>}, {pipeline_mode = #tpu.pipeline_mode<synchronous>, transform_indices = @transform_3, window_bounds = array<i64: 128, 64>}, {pipeline_mode = #tpu.pipeline_mode<synchronous>, transform_indices = @transform_4, window_bounds = array<i64: 1, 64>}, {pipeline_mode = #tpu.pipeline_mode<synchronous>, transform_indices = @transform_5, window_bounds = array<i64: 64, 64>}, {pipeline_mode = #tpu.pipeline_mode<synchronous>, transform_indices = @transform_6, window_bounds = array<i64: 64, 1>}, {transform_indices = @transform_7, window_bounds = array<i64: 1, 64, 16384>}]} {
    %get3A = arith.constant 0 : index
    %get3A_0 = arith.constant 0 : index
    %get3A_1 = vector.load %arg2[%get3A, %get3A_0] : memref<8192x128xf32, #tpu.memory_space<vmem>>, vector<8192x128xf32>
    %get3A_2 = arith.constant 0 : index
    %get3A_3 = arith.constant 0 : index
    %get3A_4 = vector.load %arg5[%get3A_2, %get3A_3] : memref<1x64xf32, #tpu.memory_space<vmem>>, vector<1x64xf32>
    %get3A_5 = arith.constant 0 : index
    %get3A_6 = arith.constant 0 : index
    %get3A_7 = vector.load %arg7[%get3A_5, %get3A_6] : memref<64x1xf32, #tpu.memory_space<vmem>>, vector<64x1xf32>
    %get3A_8 = arith.constant 0 : index
    %get3A_9 = arith.constant 0 : index
    %get3A_10 = vector.load %arg6[%get3A_8, %get3A_9] : memref<64x64xf32, #tpu.memory_space<vmem>>, vector<64x64xf32>
    %get3A_11 = arith.constant 0 : index
    %get3A_12 = arith.constant 0 : index
    %get3A_13 = vector.load %arg3[%get3A_11, %get3A_12] : memref<128x64xf32, #tpu.memory_space<vmem>>, vector<128x64xf32>
    %dot_general3A = arith.constant dense<0.000000e+00> : vector<8192x64xf32>
    %dot_general3A_14 = tpu.matmul %get3A_1, %get3A_13, %dot_general3A {dimension_numbers = #tpu.dot_dimension_numbers<[1], [0], [0], [1], [0, 0, 1, 1], [], []>, transpose_lhs_hint = false} : vector<8192x128xf32>, vector<128x64xf32>, vector<8192x64xf32> -> vector<8192x64xf32>
    %add3A = vector.broadcast %get3A_4 : vector<1x64xf32> to vector<8192x64xf32>
    %add3A_15 = arith.addf %dot_general3A_14, %add3A : vector<8192x64xf32>
    %mul3A = arith.constant 5.000000e-01 : f32
    %mul3A_16 = vector.broadcast %mul3A : f32 to vector<8192x64xf32>
    %mul3A_17 = arith.mulf %add3A_15, %mul3A_16 : vector<8192x64xf32>
    %mul3A_18 = arith.constant 0.707106769 : f32
    %mul3A_19 = vector.broadcast %mul3A_18 : f32 to vector<8192x64xf32>
    %mul3A_20 = arith.mulf %add3A_15, %mul3A_19 : vector<8192x64xf32>
    %erf3A = math.erf %mul3A_20 : vector<8192x64xf32>
    %add3A_21 = arith.constant 1.000000e+00 : f32
    %add3A_22 = vector.broadcast %add3A_21 : f32 to vector<8192x64xf32>
    %add3A_23 = arith.addf %add3A_22, %erf3A : vector<8192x64xf32>
    %mul3A_24 = arith.mulf %mul3A_17, %add3A_23 : vector<8192x64xf32>
    %dot_general3A_25 = arith.constant dense<0.000000e+00> : vector<64x8192xf32>
    %dot_general3A_26 = tpu.matmul %get3A_10, %mul3A_24, %dot_general3A_25 {dimension_numbers = #tpu.dot_dimension_numbers<[1], [1], [0], [0], [0, 0, 1, 0], [], []>, transpose_lhs_hint = false} : vector<64x64xf32>, vector<8192x64xf32>, vector<64x8192xf32> -> vector<64x8192xf32>
    %add3A_27 = vector.broadcast %get3A_7 : vector<64x1xf32> to vector<64x8192xf32>
    %add3A_28 = arith.addf %dot_general3A_26, %add3A_27 : vector<64x8192xf32>
    %swap3A = arith.constant 0 : index
    %swap3A_29 = arith.constant 0 : index
    %swap3A_30 = arith.constant 0 : index
    %swap3A_31 = vector.load %arg8[%swap3A, %swap3A_29, %swap3A_30] : memref<1x64x16384xf32, #tpu.memory_space<vmem>>, vector<1x64x8192xf32>
    %swap3A_32 = vector.shape_cast %swap3A_31 : vector<1x64x8192xf32> to vector<64x8192xf32>
    %swap3A_33 = vector.shape_cast %add3A_28 : vector<64x8192xf32> to vector<1x64x8192xf32>
    tpu.vector_store %arg8[%swap3A, %swap3A_29, %swap3A_30], %swap3A_33 {strides = array<i32>} : memref<1x64x16384xf32, #tpu.memory_space<vmem>>, vector<1x64x8192xf32>,
    %get3A_34 = arith.constant 0 : index
    %get3A_35 = arith.constant 0 : index
    %get3A_36 = vector.load %arg4[%get3A_34, %get3A_35] : memref<128x64xf32, #tpu.memory_space<vmem>>, vector<128x64xf32>
    %dot_general3A_37 = arith.constant dense<0.000000e+00> : vector<8192x64xf32>
    %dot_general3A_38 = tpu.matmul %get3A_1, %get3A_36, %dot_general3A_37 {dimension_numbers = #tpu.dot_dimension_numbers<[1], [0], [0], [1], [0, 0, 1, 1], [], []>, transpose_lhs_hint = false} : vector<8192x128xf32>, vector<128x64xf32>, vector<8192x64xf32> -> vector<8192x64xf32>
    %add3A_39 = vector.broadcast %get3A_4 : vector<1x64xf32> to vector<8192x64xf32>
    %add3A_40 = arith.addf %dot_general3A_38, %add3A_39 : vector<8192x64xf32>
    %mul3A_41 = arith.constant 5.000000e-01 : f32
    %mul3A_42 = vector.broadcast %mul3A_41 : f32 to vector<8192x64xf32>
    %mul3A_43 = arith.mulf %add3A_40, %mul3A_42 : vector<8192x64xf32>
    %mul3A_44 = arith.constant 0.707106769 : f32
    %mul3A_45 = vector.broadcast %mul3A_44 : f32 to vector<8192x64xf32>
    %mul3A_46 = arith.mulf %add3A_40, %mul3A_45 : vector<8192x64xf32>
    %erf3A_47 = math.erf %mul3A_46 : vector<8192x64xf32>
    %add3A_48 = arith.constant 1.000000e+00 : f32
    %add3A_49 = vector.broadcast %add3A_48 : f32 to vector<8192x64xf32>
    %add3A_50 = arith.addf %add3A_49, %erf3A_47 : vector<8192x64xf32>
    %mul3A_51 = arith.mulf %mul3A_43, %add3A_50 : vector<8192x64xf32>
    %dot_general3A_52 = arith.constant dense<0.000000e+00> : vector<64x8192xf32>
    %dot_general3A_53 = tpu.matmul %get3A_10, %mul3A_51, %dot_general3A_52 {dimension_numbers = #tpu.dot_dimension_numbers<[1], [1], [0], [0], [0, 0, 1, 0], [], []>, transpose_lhs_hint = false} : vector<64x64xf32>, vector<8192x64xf32>, vector<64x8192xf32> -> vector<64x8192xf32>
    %add3A_54 = vector.broadcast %get3A_7 : vector<64x1xf32> to vector<64x8192xf32>
    %add3A_55 = arith.addf %dot_general3A_53, %add3A_54 : vector<64x8192xf32>
    %swap3A_56 = arith.constant 0 : index
    %swap3A_57 = arith.constant 0 : index
    %swap3A_58 = arith.constant 8192 : index
    %swap3A_59 = vector.load %arg8[%swap3A_56, %swap3A_57, %swap3A_58] : memref<1x64x16384xf32, #tpu.memory_space<vmem>>, vector<1x64x8192xf32>
    %swap3A_60 = vector.shape_cast %swap3A_59 : vector<1x64x8192xf32> to vector<64x8192xf32>
    %swap3A_61 = vector.shape_cast %add3A_55 : vector<64x8192xf32> to vector<1x64x8192xf32>
    tpu.vector_store %arg8[%swap3A_56, %swap3A_57, %swap3A_58], %swap3A_61 {strides = array<i32>} : memref<1x64x16384xf32, #tpu.memory_space<vmem>>, vector<1x64x8192xf32>,
    return
  }
  func.func @transform_1(%arg0: i32) -> (i32, i32) {
    %c0_i32 = arith.constant 0 : i32
    %c0_i32_0 = arith.constant 0 : i32
    return %arg0, %c0_i32 : i32, i32
  }
  func.func @transform_2(%arg0: i32) -> (i32, i32) {
    %c0_i32 = arith.constant 0 : i32
    %c0_i32_0 = arith.constant 0 : i32
    %c0_i32_1 = arith.constant 0 : i32
    return %c0_i32, %c0_i32_0 : i32, i32
  }
  func.func @transform_3(%arg0: i32) -> (i32, i32) {
    %c0_i32 = arith.constant 0 : i32
    %c0_i32_0 = arith.constant 0 : i32
    %c0_i32_1 = arith.constant 0 : i32
    return %c0_i32, %c0_i32_0 : i32, i32
  }
  func.func @transform_4(%arg0: i32) -> (i32, i32) {
    %c0_i32 = arith.constant 0 : i32
    %c0_i32_0 = arith.constant 0 : i32
    %c0_i32_1 = arith.constant 0 : i32
    return %c0_i32, %c0_i32_0 : i32, i32
  }
  func.func @transform_5(%arg0: i32) -> (i32, i32) {
    %c0_i32 = arith.constant 0 : i32
    %c0_i32_0 = arith.constant 0 : i32
    %c0_i32_1 = arith.constant 0 : i32
    return %c0_i32, %c0_i32_0 : i32, i32
  }
  func.func @transform_6(%arg0: i32) -> (i32, i32) {
    %c0_i32 = arith.constant 0 : i32
    %c0_i32_0 = arith.constant 0 : i32
    %c0_i32_1 = arith.constant 0 : i32
    return %c0_i32, %c0_i32_0 : i32, i32
  }
  func.func @transform_7(%arg0: i32) -> (i32, i32, i32) {
    %add3A = arith.constant 13 : i32
    %add3A_0 = arith.addi %arg0, %add3A : i32
    %c0_i32 = arith.constant 0 : i32
    %c0_i32_1 = arith.constant 0 : i32
    %c0_i32_2 = arith.constant 0 : i32
    return %add3A_0, %c0_i32, %c0_i32_1 : i32, i32, i32
  }
}

</mosaic_0001>

<sc_bundles>
// kernel: sc_gather_0.3.cloned.1.call-start
scs
__scs_entry_jumppad:
0x0: {  	(pc) =	sbr.rel $0x88, $3  }
0x1: {  	(tag) =	ssettag $0x0;
	lr =	simm.s32 $0x1  }
0x2: {  	[smem:$0x3F9B] =	sst lr;
	_ =	strace $0xD0000000  }
0x3: {  	_ = 	snop  }
0x4: {  	_ = 	snop  }
0x5: {  	_ = 	snop  }
0x6: {  	_ = 	snop  }
0x7: {  	_ = 	snop  }
__scs_overlays_trampoline_lowered:
0x8: {  	[smem:$0x3FAA] =	sst s0  }
0x9: {  	[smem:$0x3FAB] =	sst s1  }
0xa: {  	[smem:$0x3FAC] =	sst s2  }
0xb: {  	[smem:$0x3FAD] =	sst s3  }
0xc: {  	[smem:$0x3FAE] =	sst s4  }
0xd: {  	[smem:$0x3FAF] =	sst s5  }
0xe: {  	[smem:$0x3FB0] =	sst s6  }
0xf: {  	[smem:$0x3FB1] =	sst s7  }
0x10: {  	[smem:$0x3FB2] =	sst s8  }
0x11: {  	[smem:$0x3FB3] =	sst s9;
	s0 =	simm.s32 @!p0 $0x0  }
0x12: {  	s1 =	sld [smem:$0x3F99];
	s0 =	simm.s32 @p0 $0x1  }
0x13: {  	[smem:$0x3FB4] =	sst s0;
	s0 =	simm.s32 @!p1 $0x0  }
0x14: {  	s2 =	sld [smem:$0x3F98];
	s0 =	simm.s32 @p1 $0x1  }
0x15: {  	[smem:$0x3FB5] =	sst s0;
	s0 =	simm.s32 @!p2 $0x0  }
0x16: {  	s3 =	sld [smem:$0x3FDB];
	s0 =	simm.s32 @p2 $0x1  }
0x17: {  	s4 =	simm.s32 $0x1BF5;
	[smem:$0x3FB7] =	sst s0  }
0x18: {  	s0 =	sld [smem:$0x3F9A];
	_ =	swait.ge [sflag:s4], $0x0  }
0x19: {  	s7 =	sld [smem:$0x3F9B]  }
0x1a: {  	s8 =	sadd.s32 $0xFFFFE003, lr  }
0x1b: {  	s9 =	sadd.s32 $0xFFFFFEF7, lr;
	s5 =	simm.s32 $0xFFFFFFFF;
	p2 =	slt.u32 s8, $0xFFFFF086  }
0x1c: {  	p1 =	slt.u32 s9, $0xF7A;
	s5 =	simm.s32 @!p2 $0x0  }
0x1d: {  	s5 =	simm.s32 @p1 $0x1;
	p0 =	seq.s32 s7, s2  }
0x1e: {  	s7 =	smul.u32 @!p0 $0xF7A, s2;
	p2 =	seq.s32 @!p0 s5, $0x0  }
0x1f: {  	s9 =	smul.u32 $0xF7A, s1;
	s8 =	simm.s32 @!p0 $0x1BF5;
	p2 =	por !p2, p0  }
0x20: {  	[sflag:s8] =	ssyncset.s32 @!p0 $0xFFFFF086;
	s6 =	sadd.s32 @!p0 s3, s7;
	s7 =	simm.s32 @!p0 $0x108  }
0x21: {  	s3 =	sadd.s32 s3, s9;
	s6 =	sadd.s32 @!p0 $0x88, s6;
	s7 =	simm.s32 @p2 $0x1082  }
0x22: {  	[simem:s7], [sflag:s8] =	dma.local @!p0 [hbm:s6], $0xF7A  }
0x23: {  	s9 =	sor.u32 $0xD0000000, s2;
	s6 =	simm.s32 $0x108;
	_ =	swait.ge @!p0 [sflag:s8], $0x0  }
0x24: {  	s3 =	sadd.s32 $0x88, s3;
	s6 =	simm.s32 @!p1 $0x1082;
	[sflag:s4] =	ssyncset.s32 $0xFFFFF086  }
0x25: {  	[simem:s6], [sflag:s4] =	dma.local [hbm:s3], $0xF7A  }
0x26: {  	[smem:$0x3F9B] =	sst s1;
	(tag) =	ssettag s2;
	_ =	strace s9  }
0x27: {  	s1 =	sld [smem:$0x3FAB]  }
0x28: {  	s2 =	sld [smem:$0x3FAC]  }
0x29: {  	s4 =	sld [smem:$0x3FAE]  }
0x2a: {  	p0 =	seq.s32 s5, $0x0;
	s5 =	sld [smem:$0x3FAF]  }
0x2b: {  	s6 =	sld [smem:$0x3FB0]  }
0x2c: {  	s7 =	sld [smem:$0x3FB1]  }
0x2d: {  	s3 =	simm.s32 $0x108;
	s8 =	sld [smem:$0x3FB2]  }
0x2e: {  	s3 =	simm.s32 @!p0 $0x1082;
	s9 =	sld [smem:$0x3FB3]  }
0x2f: {  	lr =	sadd.s32 s0, s3;
	s0 =	sld [smem:$0x3FAA]  }
0x30: {  	s3 =	sld [smem:$0x3FAD]  }
0x31: {  	[smem:$0x3FB6] =	sst s10  }
0x32: {  	s10 =	sld [smem:$0x3FB4];
	_ =	sdelay $0x3  }
0x33: {  	p0 =	seq.s32 s10, $0x1;
	s10 =	sld [smem:$0x3FB6];
	_ =	sdelay $0x3  }
0x34: {  	[smem:$0x3FB6] =	sst s10  }
0x35: {  	s10 =	sld [smem:$0x3FB5];
	_ =	sdelay $0x3  }
0x36: {  	p1 =	seq.s32 s10, $0x1;
	s10 =	sld [smem:$0x3FB6];
	_ =	sdelay $0x3  }
0x37: {  	[smem:$0x3FB6] =	sst s10  }
0x38: {  	s10 =	sld [smem:$0x3FB7]  }
0x39: {  	_ = 	snop;
	(pc) =	sbr.ind lr, $3  }
0x3a: {  	_ = 	snop  }
0x3b: {  	_ = 	snop  }
0x3c: {  	p2 =	seq.s32 s10, $0x1;
	s10 =	sld [smem:$0x3FB6]  }
0x3d: {  	_ =	shalt  }
0x3e: {  	_ =	shalt  }
0x3f: {  	_ =	shalt  }
0x40: {  	_ =	shalt  }
0x41: {  	_ =	shalt  }
0x42: {  	_ =	shalt  }
0x43: {  	_ =	shalt  }
0x44: {  	_ =	shalt  }
0x45: {  	_ =	shalt  }
0x46: {  	_ =	shalt  }
0x47: {  	_ =	shalt  }
0x48: {  	_ =	shalt  }
0x49: {  	_ =	shalt  }
0x4a: {  	_ =	shalt  }
0x4b: {  	_ =	shalt  }
0x4c: {  	_ =	shalt  }
0x4d: {  	_ =	shalt  }
0x4e: {  	_ =	shalt  }
0x4f: {  	_ =	shalt  }
0x50: {  	_ =	shalt  }
0x51: {  	_ =	shalt  }
0x52: {  	_ =	shalt  }
0x53: {  	_ =	shalt  }
0x54: {  	_ =	shalt  }
0x55: {  	_ =	shalt  }
0x56: {  	_ =	shalt  }
0x57: {  	_ =	shalt  }
0x58: {  	_ =	shalt  }
0x59: {  	_ =	shalt  }
0x5a: {  	_ =	shalt  }
0x5b: {  	_ =	shalt  }
0x5c: {  	_ =	shalt  }
0x5d: {  	_ =	shalt  }
0x5e: {  	_ =	shalt  }
0x5f: {  	_ =	shalt  }
0x60: {  	_ =	shalt  }
0x61: {  	_ =	shalt  }
0x62: {  	_ =	shalt  }
0x63: {  	_ =	shalt  }
0x64: {  	_ =	shalt  }
0x65: {  	_ =	shalt  }
0x66: {  	_ =	shalt  }
0x67: {  	_ =	shalt  }
0x68: {  	_ =	shalt  }
0x69: {  	_ =	shalt  }
0x6a: {  	_ =	shalt  }
0x6b: {  	_ =	shalt  }
0x6c: {  	_ =	shalt  }
0x6d: {  	_ =	shalt  }
0x6e: {  	_ =	shalt  }
0x6f: {  	_ =	shalt  }
0x70: {  	_ =	shalt  }
0x71: {  	_ =	shalt  }
0x72: {  	_ =	shalt  }
0x73: {  	_ =	shalt  }
0x74: {  	_ =	shalt  }
0x75: {  	_ =	shalt  }
0x76: {  	_ =	shalt  }
0x77: {  	_ =	shalt  }
0x78: {  	_ =	shalt  }
0x79: {  	_ =	shalt  }
0x7a: {  	_ =	shalt  }
0x7b: {  	_ =	shalt  }
0x7c: {  	_ =	shalt  }
0x7d: {  	_ =	shalt  }
0x7e: {  	_ =	shalt  }
0x7f: {  	_ =	shalt  }
0x80: {  	_ =	shalt  }
0x81: {  	_ =	shalt  }
0x82: {  	_ =	shalt  }
0x83: {  	_ =	shalt  }
0x84: {  	_ =	shalt  }
0x85: {  	_ =	shalt  }
0x86: {  	_ =	shalt  }
0x87: {  	_ =	shalt  }
.Lfunc_end0:
.L_simem_size_0:
called_computation_lowered:
.L_overlay_start_0:
0x88: {  	s2 =	sld [smem:$0x3FD9]  }
0x89: {  	s3 =	sld [smem:$0x3FFE];
	_ =	sdelay $0x1  }
0x8a: {  	s1 =	srdreg.scid  }
0x8b: {  	s0 =	sand.u32 $0x1, s1  }
0x8c: {  	s16 =	sshll.u32 s0, $0xA;
	s2 =	sadd.s32 s3, s2  }
0x8d: {  	s2 =	sadd.s32 s2, s16  }
0x8e: {  	[smem:$0x3FC2] =	sst s2  }
0x8f: {  	_ = 	snop  }
0x90: {  	(tm) =	ssettm $0x1  }
0x91: {  	s17 =	sld [smem:$0x3FFB];
	_ =	sdelay $0x3  }
0x92: {  	_ =	strace s17  }
0x93: {  	s2 =	sld [smem:$0x3FFC];
	_ =	sdelay $0x3  }
0x94: {  	_ =	strace s2  }
0x95: {  	s2 =	sld [smem:$0x3FFD];
	_ =	sdelay $0x3  }
0x96: {  	_ =	strace s2  }
0x97: {  	_ =	strace $0x8FFFFFFF  }
0x98: {  	s18 =	sld [smem:$0x3FDB];
	_ =	sdelay $0x1  }
0x99: {  	s19 =	simm.s32 $_scs_section_size  }
0x9a: {  	s4 =	simm.s32 $_size__tile_overlayer_lowered;
	s5 =	simm.s32 $_tile_overlayer_lowered  }
0x9b: {  	s22 =	simm.s32 $0x1BFF;
	s21 =	sshll.u32 s5, $0x1;
	s2 =	sadd.s32 s19, s18  }
0x9c: {  	s6 =	simm.s32 $0x0;
	s20 =	sshll.u32 s4, $0x1;
	s4 =	sadd.s32 s21, s2  }
0x9d: {  	[timem:s6], [sflag:s22] =	dma.local [hbm:s4], s20  }
0x9e: {  	_ =	swait.ge [sflag:s22], s20  }
0x9f: {  	s3 =	ssub.s32 $0x0, s20;
	[sflag:s22] =	ssyncset.done $0x0  }
0xa0: {  	[sflag:s22] =	ssyncadd.s32 s3;
	_ =	sdelay $0x1  }
0xa1: {  	s23 =	simm.s32 $0x1B8B  }
0xa2: {  	_ =	swait.ge [sflag:s23], $0x1  }
0xa3: {  	[sflag:s23] =	ssyncset.done $0x0  }
0xa4: {  	s25 =	simm.s32 $0x1B8E;
	s24 =	sld [smem:$0x3FFE];
	[sflag:s23] =	ssyncadd.s32 $0xFFFFFFFF  }
0xa5: {  	s26 =	simm.s32 $execute0_lowered;
	[smem:$0x3FD2] =	sst s25  }
0xa6: {  	s4 =	sshll.u32 s26, $0x1;
	_ =	strace $0x80000046;
	[dreg:$0x1] =	wrdreg $0xFFFFFFFF  }
0xa7: {  	s28 =	simm.s32 $_size_execute0_lowered;
	s2 =	sadd.s32 s2, s4;
	[dreg:$0x0] =	wrdreg $0x0  }
0xa8: {  	s4 =	sshll.u32 s28, $0x1;
	[dreg:$0x2] =	wrdreg s2  }
0xa9: {  	[dreg:$0x3] =	wrdreg s4  }
0xaa: {  	[dreg:$0x4] =	wrdreg $0xC0  }
0xab: {  	_ =	task [dreg:s6], $0x5FFFF  }
0xac: {  	[dreg:$0x1] =	wrdreg $0xFFFFFFFF  }
0xad: {  	[dreg:$0x0] =	wrdreg $0x60  }
0xae: {  	[dreg:$0x2] =	wrdreg s24  }
0xaf: {  	[dreg:$0x3] =	wrdreg $0x9  }
0xb0: {  	_ =	task.clear_ibuf [dreg:s6], $0x4FFFF;
	_ =	strace $0x90000046  }
0xb1: {  	s29 =	simm.s32 $0x9;
	_ =	strace $0x80000048  }
0xb2: {  	_ =	swait.ge [sflag:s29], $0x1  }
0xb3: {  	[sflag:s29] =	ssyncadd.s32 $0xFFFFFFFF  }
0xb4: {  	_ =	strace $0x90000048  }
0xb5: {  	_ =	sfence  }
0xb6: {  	s30 =	sld [smem:$0x0];
	_ =	sdelay $0x2  }
0xb7: {  	s31 =	sshll.u32 s1, $0xD;
	s1 =	sshrl.u32 s1, $0x2  }
0xb8: {  	s3 =	sand.u32 $0x4000, s31;
	s1 =	sadd.s32 s1, s30  }
0xb9: {  	s0 =	sor.u32 s3, s0;
	s1 =	sshll.u32 s1, $0x11  }
0xba: {  	s0 =	sor.u32 s1, s0  }
0xbb: {  	s0 =	sadd.s32 $0x8F2B, s0  }
0xbc: {  	[sflag:s0] =	ssyncadd.remote.s32 $0x1  }
0xbd: {  	_ =	sfence.sel $0xFFFF  }
0xbe: {  	[dreg:$0x0] =	wrdreg $0xFFFFFFFF;
	(pc) =	sbr.abs _section_cstart, $3  }
0xbf: {  	[dreg:$0x1] =	wrdreg $0xFFFFFFFF  }
0xc0: {  	_ =	task.clear_ibuf [dreg:s6], $0x2FFFF;
	_ =	strace $0x9FFFFFFF  }
0xc1: {  	(tm) =	ssettm $0x7FFFFFFF  }
tec
execute0_lowered:
.L_overlay_start_1:
0x0: {  	(tag) =	ssettag $0x1  }
0x1: {  	v0 =	vlaneseq.u32  }
0x2: {  	s3 =	rddreg [dreg:$0x0];
	v0 =	vmul.u32 $0x2, v0  }
0x3: {  	s1 =	srdreg.scid;
	s0 =	rddreg [dreg:$0x1];
	s2 =	simm.s32 $0x0  }
0x4: {  	s9 =	simm.s32 $0x200;
	s10 =	simm.s32 $0x80;
	s11 =	simm.s32 $0x400;
	v1 =	vor.u32 $0x1, v0  }
0x5: {  	s12 =	simm.s32 $0x280;
	s13 =	simm.s32 $0x2400;
	s14 =	simm.s32 $0x300;
	v2 =	vor.u32 $0x20, v0;
	v3 =	vor.u32 $0x21, v0;
	v4 =	vor.u32 $0x40, v0  }
0x6: {  	s15 =	simm.s32 $0x4400;
	s16 =	simm.s32 $0x380;
	s17 =	simm.s32 $0x6400;
	v5 =	vor.u32 $0x41, v0;
	v6 =	vor.u32 $0x60, v0;
	v7 =	vor.u32 $0x61, v0  }
0x7: {  	s18 =	simm.s32 $0x1;
	s4 =	sand.u32 $0x1, s1;
	s1 =	stileid.u32;
	v8 =	vor.u32 $0x80, v0;
	v9 =	vor.u32 $0x81, v0;
	v10 =	vor.u32 $0xA0, v0  }
0x8: {  	s19 =	simm.s32 $0x0;
	[smem:$0x7FF] =	sst s2;
	s5 =	sshll.u32 s1, $0x9;
	v11 =	vor.u32 $0xA1, v0;
	v12 =	vor.u32 $0xC0, v0;
	v13 =	vor.u32 $0xC1, v0  }
0x9: {  	s6 =	sshll.u32 s4, $0x8;
	_ =	strace $0x80000047;
	s29 =	ssub.s32 $0x2, s4;
	v14 =	vor.u32 $0xE0, v0;
	v15 =	vor.u32 $0xE1, v0;
	v16 =	vor.u32 $0x100, v0  }
0xa: {  	s30 =	sshll.u32 s1, $0xD;
	s5 =	sor.u32 s6, s5;
	s8 =	sshrl.u32 s29, $0x1;
	v17 =	vor.u32 $0x101, v0;
	v18 =	vor.u32 $0x120, v0;
	v19 =	vor.u32 $0x121, v0  }
0xb: {  	s31 =	sshll.u32 s4, $0xC;
	v20 =	vor.u32 $0x140, v0;
	v21 =	vor.u32 $0x141, v0;
	v22 =	vor.u32 $0x160, v0;
	s5 =	sshrl.u32 s5, $0x3;
	s6 =	ssub.s32 s29, s8  }
0xc: {  	v23 =	vor.u32 $0x161, v0;
	v24 =	vor.u32 $0x180, v0;
	v25 =	vor.u32 $0x181, v0;
	s8 =	simm.s32 $0x100;
	s7 =	sadd.s32 s5, s3;
	s5 =	sadd.s32 s30, s3  }
0xd: {  	v26 =	vor.u32 $0x1A0, v0;
	v27 =	vor.u32 $0x1A1, v0;
	v28 =	vor.u32 $0x1C0, v0;
	s3 =	sadd.s32 $0xE200, s3;
	s4 =	smax.u32 s6, $0x1;
	s5 =	sadd.s32 s31, s5  }
0xe: {  	v29 =	vor.u32 $0x1C1, v0;
	v30 =	vor.u32 $0x1E0, v0;
	v31 =	vor.u32 $0x1E1, v0;
	s6 =	sadd.s32 $0x1600, s7;
	s7 =	simm.s32 $0x2;
	s5 =	sadd.s32 $0x7AF400, s5  }
.LBB2_1:
0xf: {  	s20 =	sadd.s32 $0xFFFFFC00, s6  }
0x10: {  	[tilespmem:s2], [sflag:$0x2] =	stream.linear.gather [hbm4b:s20+s2], $0x100, $0x38;
	[tilespmem:$0x8400] =	vst v63  }
0x11: {  	_ =	swait.ge [sflag:s7], $0x100  }
0x12: {  	[sflag:s7] =	ssyncset.done $0x0  }
0x13: {  	[sflag:s7] =	ssyncadd.s32 $0xFFFFFF00  }
0x14: {  	[tilespmem:s8], [sflag:$0x2] =	stream.linear.gather [hbm4b:s6+s2], $0x100, $0x38;
	[tilespmem:$0x8400] =	vst v63  }
0x15: {  	_ =	swait.ge [sflag:s7], $0x100  }
0x16: {  	[sflag:s7] =	ssyncset.done $0x0  }
0x17: {  	[sflag:s7] =	ssyncadd.s32 $0xFFFFFF00  }
0x18: {  	v32 =	vld [tilespmem:$0x0];
	_ =	sdelay $0x4  }
0x19: {  	[tilespmem:v0+s9+$0x0] =	vst.idx.msk $0xffff, v32  }
0x1a: {  	v32 =	vld [tilespmem:$0x100];
	_ =	sdelay $0x4  }
0x1b: {  	[tilespmem:v1+s9+$0x0] =	vst.idx.msk $0xffff, v32  }
0x1c: {  	v32 =	vld [tilespmem:$0x10];
	_ =	sdelay $0x4  }
0x1d: {  	[tilespmem:v2+s9+$0x0] =	vst.idx.msk $0xffff, v32  }
0x1e: {  	v32 =	vld [tilespmem:$0x110];
	_ =	sdelay $0x4  }
0x1f: {  	[tilespmem:v3+s9+$0x0] =	vst.idx.msk $0xffff, v32  }
0x20: {  	v32 =	vld [tilespmem:$0x20];
	_ =	sdelay $0x4  }
0x21: {  	[tilespmem:v4+s9+$0x0] =	vst.idx.msk $0xffff, v32  }
0x22: {  	v32 =	vld [tilespmem:$0x120];
	_ =	sdelay $0x4  }
0x23: {  	[tilespmem:v5+s9+$0x0] =	vst.idx.msk $0xffff, v32  }
0x24: {  	v32 =	vld [tilespmem:$0x30];
	_ =	sdelay $0x4  }
0x25: {  	[tilespmem:v6+s9+$0x0] =	vst.idx.msk $0xffff, v32  }
0x26: {  	v32 =	vld [tilespmem:$0x130];
	_ =	sdelay $0x4  }
0x27: {  	[tilespmem:v7+s9+$0x0] =	vst.idx.msk $0xffff, v32  }
0x28: {  	v32 =	vld [tilespmem:$0x40];
	_ =	sdelay $0x4  }
0x29: {  	[tilespmem:v8+s9+$0x0] =	vst.idx.msk $0xffff, v32  }
0x2a: {  	v32 =	vld [tilespmem:$0x140];
	_ =	sdelay $0x4  }
0x2b: {  	[tilespmem:v9+s9+$0x0] =	vst.idx.msk $0xffff, v32  }
0x2c: {  	v32 =	vld [tilespmem:$0x50];
	_ =	sdelay $0x4  }
0x2d: {  	[tilespmem:v10+s9+$0x0] =	vst.idx.msk $0xffff, v32  }
0x2e: {  	v32 =	vld [tilespmem:$0x150];
	_ =	sdelay $0x4  }
0x2f: {  	[tilespmem:v11+s9+$0x0] =	vst.idx.msk $0xffff, v32  }
0x30: {  	v32 =	vld [tilespmem:$0x60];
	_ =	sdelay $0x4  }
0x31: {  	[tilespmem:v12+s9+$0x0] =	vst.idx.msk $0xffff, v32  }
0x32: {  	v32 =	vld [tilespmem:$0x160];
	_ =	sdelay $0x4  }
0x33: {  	[tilespmem:v13+s9+$0x0] =	vst.idx.msk $0xffff, v32  }
0x34: {  	v32 =	vld [tilespmem:$0x70];
	_ =	sdelay $0x4  }
0x35: {  	[tilespmem:v14+s9+$0x0] =	vst.idx.msk $0xffff, v32  }
0x36: {  	v32 =	vld [tilespmem:$0x170];
	_ =	sdelay $0x4  }
0x37: {  	[tilespmem:v15+s9+$0x0] =	vst.idx.msk $0xffff, v32  }
0x38: {  	v32 =	vld [tilespmem:$0x80];
	_ =	sdelay $0x4  }
0x39: {  	[tilespmem:v16+s9+$0x0] =	vst.idx.msk $0xffff, v32  }
0x3a: {  	v32 =	vld [tilespmem:$0x180];
	_ =	sdelay $0x4  }
0x3b: {  	[tilespmem:v17+s9+$0x0] =	vst.idx.msk $0xffff, v32  }
0x3c: {  	v32 =	vld [tilespmem:$0x90];
	_ =	sdelay $0x4  }
0x3d: {  	[tilespmem:v18+s9+$0x0] =	vst.idx.msk $0xffff, v32  }
0x3e: {  	v32 =	vld [tilespmem:$0x190];
	_ =	sdelay $0x4  }
0x3f: {  	[tilespmem:v19+s9+$0x0] =	vst.idx.msk $0xffff, v32  }
0x40: {  	v32 =	vld [tilespmem:$0xA0];
	_ =	sdelay $0x4  }
0x41: {  	[tilespmem:v20+s9+$0x0] =	vst.idx.msk $0xffff, v32  }
0x42: {  	v32 =	vld [tilespmem:$0x1A0];
	_ =	sdelay $0x4  }
0x43: {  	[tilespmem:v21+s9+$0x0] =	vst.idx.msk $0xffff, v32  }
0x44: {  	v32 =	vld [tilespmem:$0xB0];
	_ =	sdelay $0x4  }
0x45: {  	[tilespmem:v22+s9+$0x0] =	vst.idx.msk $0xffff, v32  }
0x46: {  	v32 =	vld [tilespmem:$0x1B0];
	_ =	sdelay $0x4  }
0x47: {  	[tilespmem:v23+s9+$0x0] =	vst.idx.msk $0xffff, v32  }
0x48: {  	v32 =	vld [tilespmem:$0xC0];
	_ =	sdelay $0x4  }
0x49: {  	[tilespmem:v24+s9+$0x0] =	vst.idx.msk $0xffff, v32  }
0x4a: {  	v32 =	vld [tilespmem:$0x1C0];
	_ =	sdelay $0x4  }
0x4b: {  	[tilespmem:v25+s9+$0x0] =	vst.idx.msk $0xffff, v32  }
0x4c: {  	v32 =	vld [tilespmem:$0xD0];
	_ =	sdelay $0x4  }
0x4d: {  	[tilespmem:v26+s9+$0x0] =	vst.idx.msk $0xffff, v32  }
0x4e: {  	v32 =	vld [tilespmem:$0x1D0];
	_ =	sdelay $0x4  }
0x4f: {  	[tilespmem:v27+s9+$0x0] =	vst.idx.msk $0xffff, v32  }
0x50: {  	v32 =	vld [tilespmem:$0xE0];
	_ =	sdelay $0x4  }
0x51: {  	[tilespmem:v28+s9+$0x0] =	vst.idx.msk $0xffff, v32  }
0x52: {  	v32 =	vld [tilespmem:$0x1E0];
	_ =	sdelay $0x4  }
0x53: {  	[tilespmem:v29+s9+$0x0] =	vst.idx.msk $0xffff, v32  }
0x54: {  	v32 =	vld [tilespmem:$0xF0];
	_ =	sdelay $0x4  }
0x55: {  	[tilespmem:v30+s9+$0x0] =	vst.idx.msk $0xffff, v32  }
0x56: {  	v32 =	vld [tilespmem:$0x1F0];
	_ =	sdelay $0x4  }
0x57: {  	[tilespmem:v31+s9+$0x0] =	vst.idx.msk $0xffff, v32  }
0x58: {  	[tilespmem:s11], [sflag:$0x1] =	stream.indirect.gather [hbm4b:s3+s10], $0x40, s9, s10, $0xb8;
	[tilespmem:$0x8400] =	vst v63  }
0x59: {  	_ = 	snop  }
0x5a: {  	[tilespmem:s13], [sflag:$0x1] =	stream.indirect.gather [hbm4b:s3+s10], $0x40, s12, s10, $0xb8;
	[tilespmem:$0x8400] =	vst v63  }
0x5b: {  	_ = 	snop  }
0x5c: {  	[tilespmem:s15], [sflag:$0x1] =	stream.indirect.gather [hbm4b:s3+s10], $0x40, s14, s10, $0xb8;
	[tilespmem:$0x8400] =	vst v63  }
0x5d: {  	_ = 	snop  }
0x5e: {  	[tilespmem:s17], [sflag:$0x1] =	stream.indirect.gather [hbm4b:s3+s10], $0x40, s16, s10, $0xb8;
	[tilespmem:$0x8400] =	vst v63  }
0x5f: {  	_ =	swait.ge [sflag:s18], $0x2000  }
0x60: {  	[sflag:s18] =	ssyncset.done $0x0  }
0x61: {  	[sflag:s18] =	ssyncadd.s32 $0xFFFFE000  }
0x62: {  	_ =	swait.ge [sflag:s18], $0x2000  }
0x63: {  	[sflag:s18] =	ssyncset.done $0x0  }
0x64: {  	[sflag:s18] =	ssyncadd.s32 $0xFFFFE000  }
0x65: {  	_ =	swait.ge [sflag:s18], $0x2000  }
0x66: {  	[sflag:s18] =	ssyncset.done $0x0  }
0x67: {  	[sflag:s18] =	ssyncadd.s32 $0xFFFFE000  }
0x68: {  	_ =	swait.ge [sflag:s18], $0x2000  }
0x69: {  	[sflag:s18] =	ssyncset.done $0x0  }
0x6a: {  	s31 =	sadd.s32 $0x0, s5;
	[sflag:s18] =	ssyncadd.s32 $0xFFFFE000  }
0x6b: {  	[hbm4b:s31+s2] =	stream.linear.scatter [tilespmem:s11], [sflag:$0x2], $0x8000, $0x38;
	[tilespmem:$0x8400] =	vst v63  }
0x6c: {  	s22 =	simm.s32 $0x40000;
	_ =	swait.ge [sflag:s7], $0x8000  }
0x6d: {  	s21 =	sadd.s32 $0x800, s6;
	s20 =	simm.s32 $0x20000;
	[sflag:s7] =	ssyncset.done $0x0  }
.LBB2_2:
0x6e: {  	p0 =	sne.s32 s22, $0x180000;
	s23 =	sadd.s32 $0xFFFFFC00, s21;
	[sflag:s7] =	ssyncadd.s32 $0xFFFF8000  }
0x6f: {  	[tilespmem:s2], [sflag:$0x2] =	stream.linear.gather [hbm4b:s23+s2], $0x100, $0x38;
	[tilespmem:$0x8400] =	vst v63  }
0x70: {  	s23 =	smov.u32 s22;
	s22 =	sadd.s32 $0x20000, s22;
	_ =	swait.ge [sflag:s7], $0x100  }
0x71: {  	[sflag:s7] =	ssyncset.done $0x0  }
0x72: {  	[sflag:s7] =	ssyncadd.s32 $0xFFFFFF00  }
0x73: {  	[tilespmem:s8], [sflag:$0x2] =	stream.linear.gather [hbm4b:s21+s2], $0x100, $0x38;
	[tilespmem:$0x8400] =	vst v63  }
0x74: {  	_ =	swait.ge [sflag:s7], $0x100  }
0x75: {  	[sflag:s7] =	ssyncset.done $0x0  }
0x76: {  	[sflag:s7] =	ssyncadd.s32 $0xFFFFFF00  }
0x77: {  	v32 =	vld [tilespmem:$0x0];
	_ =	sdelay $0x4  }
0x78: {  	[tilespmem:v0+s9+$0x0] =	vst.idx.msk $0xffff, v32  }
0x79: {  	v32 =	vld [tilespmem:$0x100];
	_ =	sdelay $0x4  }
0x7a: {  	[tilespmem:v1+s9+$0x0] =	vst.idx.msk $0xffff, v32  }
0x7b: {  	v32 =	vld [tilespmem:$0x10];
	_ =	sdelay $0x4  }
0x7c: {  	[tilespmem:v2+s9+$0x0] =	vst.idx.msk $0xffff, v32  }
0x7d: {  	v32 =	vld [tilespmem:$0x110];
	_ =	sdelay $0x4  }
0x7e: {  	[tilespmem:v3+s9+$0x0] =	vst.idx.msk $0xffff, v32  }
0x7f: {  	v32 =	vld [tilespmem:$0x20];
	_ =	sdelay $0x4  }
0x80: {  	[tilespmem:v4+s9+$0x0] =	vst.idx.msk $0xffff, v32  }
0x81: {  	v32 =	vld [tilespmem:$0x120];
	_ =	sdelay $0x4  }
0x82: {  	[tilespmem:v5+s9+$0x0] =	vst.idx.msk $0xffff, v32  }
0x83: {  	v32 =	vld [tilespmem:$0x30];
	_ =	sdelay $0x4  }
0x84: {  	[tilespmem:v6+s9+$0x0] =	vst.idx.msk $0xffff, v32  }
0x85: {  	v32 =	vld [tilespmem:$0x130];
	_ =	sdelay $0x4  }
0x86: {  	[tilespmem:v7+s9+$0x0] =	vst.idx.msk $0xffff, v32  }
0x87: {  	v32 =	vld [tilespmem:$0x40];
	_ =	sdelay $0x4  }
0x88: {  	[tilespmem:v8+s9+$0x0] =	vst.idx.msk $0xffff, v32  }
0x89: {  	v32 =	vld [tilespmem:$0x140];
	_ =	sdelay $0x4  }
0x8a: {  	[tilespmem:v9+s9+$0x0] =	vst.idx.msk $0xffff, v32  }
0x8b: {  	v32 =	vld [tilespmem:$0x50];
	_ =	sdelay $0x4  }
0x8c: {  	[tilespmem:v10+s9+$0x0] =	vst.idx.msk $0xffff, v32  }
0x8d: {  	v32 =	vld [tilespmem:$0x150];
	_ =	sdelay $0x4  }
0x8e: {  	[tilespmem:v11+s9+$0x0] =	vst.idx.msk $0xffff, v32  }
0x8f: {  	v32 =	vld [tilespmem:$0x60];
	_ =	sdelay $0x4  }
0x90: {  	[tilespmem:v12+s9+$0x0] =	vst.idx.msk $0xffff, v32  }
0x91: {  	v32 =	vld [tilespmem:$0x160];
	_ =	sdelay $0x4  }
0x92: {  	[tilespmem:v13+s9+$0x0] =	vst.idx.msk $0xffff, v32  }
0x93: {  	v32 =	vld [tilespmem:$0x70];
	_ =	sdelay $0x4  }
0x94: {  	[tilespmem:v14+s9+$0x0] =	vst.idx.msk $0xffff, v32  }
0x95: {  	v32 =	vld [tilespmem:$0x170];
	_ =	sdelay $0x4  }
0x96: {  	[tilespmem:v15+s9+$0x0] =	vst.idx.msk $0xffff, v32  }
0x97: {  	v32 =	vld [tilespmem:$0x80];
	_ =	sdelay $0x4  }
0x98: {  	[tilespmem:v16+s9+$0x0] =	vst.idx.msk $0xffff, v32  }
0x99: {  	v32 =	vld [tilespmem:$0x180];
	_ =	sdelay $0x4  }
0x9a: {  	[tilespmem:v17+s9+$0x0] =	vst.idx.msk $0xffff, v32  }
0x9b: {  	v32 =	vld [tilespmem:$0x90];
	_ =	sdelay $0x4  }
0x9c: {  	[tilespmem:v18+s9+$0x0] =	vst.idx.msk $0xffff, v32  }
0x9d: {  	v32 =	vld [tilespmem:$0x190];
	_ =	sdelay $0x4  }
0x9e: {  	[tilespmem:v19+s9+$0x0] =	vst.idx.msk $0xffff, v32  }
0x9f: {  	v32 =	vld [tilespmem:$0xA0];
	_ =	sdelay $0x4  }
0xa0: {  	[tilespmem:v20+s9+$0x0] =	vst.idx.msk $0xffff, v32  }
0xa1: {  	v32 =	vld [tilespmem:$0x1A0];
	_ =	sdelay $0x4  }
0xa2: {  	[tilespmem:v21+s9+$0x0] =	vst.idx.msk $0xffff, v32  }
0xa3: {  	v32 =	vld [tilespmem:$0xB0];
	_ =	sdelay $0x4  }
0xa4: {  	[tilespmem:v22+s9+$0x0] =	vst.idx.msk $0xffff, v32  }
0xa5: {  	v32 =	vld [tilespmem:$0x1B0];
	_ =	sdelay $0x4  }
0xa6: {  	[tilespmem:v23+s9+$0x0] =	vst.idx.msk $0xffff, v32  }
0xa7: {  	v32 =	vld [tilespmem:$0xC0];
	_ =	sdelay $0x4  }
0xa8: {  	[tilespmem:v24+s9+$0x0] =	vst.idx.msk $0xffff, v32  }
0xa9: {  	v32 =	vld [tilespmem:$0x1C0];
	_ =	sdelay $0x4  }
0xaa: {  	[tilespmem:v25+s9+$0x0] =	vst.idx.msk $0xffff, v32  }
0xab: {  	v32 =	vld [tilespmem:$0xD0];
	_ =	sdelay $0x4  }
0xac: {  	[tilespmem:v26+s9+$0x0] =	vst.idx.msk $0xffff, v32  }
0xad: {  	v32 =	vld [tilespmem:$0x1D0];
	_ =	sdelay $0x4  }
0xae: {  	[tilespmem:v27+s9+$0x0] =	vst.idx.msk $0xffff, v32  }
0xaf: {  	v32 =	vld [tilespmem:$0xE0];
	_ =	sdelay $0x4  }
0xb0: {  	[tilespmem:v28+s9+$0x0] =	vst.idx.msk $0xffff, v32  }
0xb1: {  	v32 =	vld [tilespmem:$0x1E0];
	_ =	sdelay $0x4  }
0xb2: {  	[tilespmem:v29+s9+$0x0] =	vst.idx.msk $0xffff, v32  }
0xb3: {  	v32 =	vld [tilespmem:$0xF0];
	_ =	sdelay $0x4  }
0xb4: {  	[tilespmem:v30+s9+$0x0] =	vst.idx.msk $0xffff, v32  }
0xb5: {  	v32 =	vld [tilespmem:$0x1F0];
	_ =	sdelay $0x4  }
0xb6: {  	[tilespmem:v31+s9+$0x0] =	vst.idx.msk $0xffff, v32  }
0xb7: {  	[tilespmem:s11], [sflag:$0x1] =	stream.indirect.gather [hbm4b:s3+s10], $0x40, s9, s10, $0xb8;
	[tilespmem:$0x8400] =	vst v63  }
0xb8: {  	_ = 	snop  }
0xb9: {  	[tilespmem:s13], [sflag:$0x1] =	stream.indirect.gather [hbm4b:s3+s10], $0x40, s12, s10, $0xb8;
	[tilespmem:$0x8400] =	vst v63  }
0xba: {  	_ = 	snop  }
0xbb: {  	[tilespmem:s15], [sflag:$0x1] =	stream.indirect.gather [hbm4b:s3+s10], $0x40, s14, s10, $0xb8;
	[tilespmem:$0x8400] =	vst v63  }
0xbc: {  	_ = 	snop  }
0xbd: {  	[tilespmem:s17], [sflag:$0x1] =	stream.indirect.gather [hbm4b:s3+s10], $0x40, s16, s10, $0xb8;
	[tilespmem:$0x8400] =	vst v63  }
0xbe: {  	_ =	swait.ge [sflag:s18], $0x2000  }
0xbf: {  	[sflag:s18] =	ssyncset.done $0x0  }
0xc0: {  	[sflag:s18] =	ssyncadd.s32 $0xFFFFE000  }
0xc1: {  	_ =	swait.ge [sflag:s18], $0x2000  }
0xc2: {  	[sflag:s18] =	ssyncset.done $0x0  }
0xc3: {  	[sflag:s18] =	ssyncadd.s32 $0xFFFFE000  }
0xc4: {  	_ =	swait.ge [sflag:s18], $0x2000  }
0xc5: {  	[sflag:s18] =	ssyncset.done $0x0  }
0xc6: {  	[sflag:s18] =	ssyncadd.s32 $0xFFFFE000  }
0xc7: {  	_ =	swait.ge [sflag:s18], $0x2000  }
.Ltmp0:
0xc8: {  	[sflag:s18] =	ssyncset.done $0x0;
	(pc) =	sbr.rel @p0 .LBB2_2-.Ltmp0, $4  }
0xc9: {  	s24 =	sadd.s32 s20, s5;
	s20 =	smov.u32 s23;
	[sflag:s18] =	ssyncadd.s32 $0xFFFFE000  }
0xca: {  	[hbm4b:s24+s2] =	stream.linear.scatter [tilespmem:s11], [sflag:$0x2], $0x8000, $0x38;
	[tilespmem:$0x8400] =	vst v63  }
0xcb: {  	_ =	swait.ge [sflag:s7], $0x8000  }
0xcc: {  	s21 =	sadd.s32 $0x800, s21;
	[sflag:s7] =	ssyncset.done $0x0  }
0xcd: {  	s22 =	sadd.s32 $0xFFFFFC00, s21;
	[sflag:s7] =	ssyncadd.s32 $0xFFFF8000  }
0xce: {  	[tilespmem:s2], [sflag:$0x2] =	stream.linear.gather [hbm4b:s22+s2], $0x100, $0x38;
	[tilespmem:$0x8400] =	vst v63  }
0xcf: {  	_ =	swait.ge [sflag:s7], $0x100  }
0xd0: {  	[sflag:s7] =	ssyncset.done $0x0  }
0xd1: {  	[sflag:s7] =	ssyncadd.s32 $0xFFFFFF00  }
0xd2: {  	[tilespmem:s8], [sflag:$0x2] =	stream.linear.gather [hbm4b:s21+s2], $0x100, $0x38;
	[tilespmem:$0x8400] =	vst v63  }
0xd3: {  	_ =	swait.ge [sflag:s7], $0x100  }
0xd4: {  	[sflag:s7] =	ssyncset.done $0x0  }
0xd5: {  	[sflag:s7] =	ssyncadd.s32 $0xFFFFFF00  }
0xd6: {  	v32 =	vld [tilespmem:$0x0];
	_ =	sdelay $0x4  }
0xd7: {  	[tilespmem:v0+s9+$0x0] =	vst.idx.msk $0xffff, v32  }
0xd8: {  	v32 =	vld [tilespmem:$0x100];
	_ =	sdelay $0x4  }
0xd9: {  	[tilespmem:v1+s9+$0x0] =	vst.idx.msk $0xffff, v32  }
0xda: {  	v32 =	vld [tilespmem:$0x10];
	_ =	sdelay $0x4  }
0xdb: {  	[tilespmem:v2+s9+$0x0] =	vst.idx.msk $0xffff, v32  }
0xdc: {  	v32 =	vld [tilespmem:$0x110];
	_ =	sdelay $0x4  }
0xdd: {  	[tilespmem:v3+s9+$0x0] =	vst.idx.msk $0xffff, v32  }
0xde: {  	v32 =	vld [tilespmem:$0x20];
	_ =	sdelay $0x4  }
0xdf: {  	[tilespmem:v4+s9+$0x0] =	vst.idx.msk $0xffff, v32  }
0xe0: {  	v32 =	vld [tilespmem:$0x120];
	_ =	sdelay $0x4  }
0xe1: {  	[tilespmem:v5+s9+$0x0] =	vst.idx.msk $0xffff, v32  }
0xe2: {  	v32 =	vld [tilespmem:$0x30];
	_ =	sdelay $0x4  }
0xe3: {  	[tilespmem:v6+s9+$0x0] =	vst.idx.msk $0xffff, v32  }
0xe4: {  	v32 =	vld [tilespmem:$0x130];
	_ =	sdelay $0x4  }
0xe5: {  	[tilespmem:v7+s9+$0x0] =	vst.idx.msk $0xffff, v32  }
0xe6: {  	v32 =	vld [tilespmem:$0x40];
	_ =	sdelay $0x4  }
0xe7: {  	[tilespmem:v8+s9+$0x0] =	vst.idx.msk $0xffff, v32  }
0xe8: {  	v32 =	vld [tilespmem:$0x140];
	_ =	sdelay $0x4  }
0xe9: {  	[tilespmem:v9+s9+$0x0] =	vst.idx.msk $0xffff, v32  }
0xea: {  	v32 =	vld [tilespmem:$0x50];
	_ =	sdelay $0x4  }
0xeb: {  	[tilespmem:v10+s9+$0x0] =	vst.idx.msk $0xffff, v32  }
0xec: {  	v32 =	vld [tilespmem:$0x150];
	_ =	sdelay $0x4  }
0xed: {  	[tilespmem:v11+s9+$0x0] =	vst.idx.msk $0xffff, v32  }
0xee: {  	v32 =	vld [tilespmem:$0x60];
	_ =	sdelay $0x4  }
0xef: {  	[tilespmem:v12+s9+$0x0] =	vst.idx.msk $0xffff, v32  }
0xf0: {  	v32 =	vld [tilespmem:$0x160];
	_ =	sdelay $0x4  }
0xf1: {  	[tilespmem:v13+s9+$0x0] =	vst.idx.msk $0xffff, v32  }
0xf2: {  	v32 =	vld [tilespmem:$0x70];
	_ =	sdelay $0x4  }
0xf3: {  	[tilespmem:v14+s9+$0x0] =	vst.idx.msk $0xffff, v32  }
0xf4: {  	v32 =	vld [tilespmem:$0x170];
	_ =	sdelay $0x4  }
0xf5: {  	[tilespmem:v15+s9+$0x0] =	vst.idx.msk $0xffff, v32  }
0xf6: {  	v32 =	vld [tilespmem:$0x80];
	_ =	sdelay $0x4  }
0xf7: {  	[tilespmem:v16+s9+$0x0] =	vst.idx.msk $0xffff, v32  }
0xf8: {  	v32 =	vld [tilespmem:$0x180];
	_ =	sdelay $0x4  }
0xf9: {  	[tilespmem:v17+s9+$0x0] =	vst.idx.msk $0xffff, v32  }
0xfa: {  	v32 =	vld [tilespmem:$0x90];
	_ =	sdelay $0x4  }
0xfb: {  	[tilespmem:v18+s9+$0x0] =	vst.idx.msk $0xffff, v32  }
0xfc: {  	v32 =	vld [tilespmem:$0x190];
	_ =	sdelay $0x4  }
0xfd: {  	[tilespmem:v19+s9+$0x0] =	vst.idx.msk $0xffff, v32  }
0xfe: {  	v32 =	vld [tilespmem:$0xA0];
	_ =	sdelay $0x4  }
0xff: {  	[tilespmem:v20+s9+$0x0] =	vst.idx.msk $0xffff, v32  }
0x100: {  	v32 =	vld [tilespmem:$0x1A0];
	_ =	sdelay $0x4  }
0x101: {  	[tilespmem:v21+s9+$0x0] =	vst.idx.msk $0xffff, v32  }
0x102: {  	v32 =	vld [tilespmem:$0xB0];
	_ =	sdelay $0x4  }
0x103: {  	[tilespmem:v22+s9+$0x0] =	vst.idx.msk $0xffff, v32  }
0x104: {  	v32 =	vld [tilespmem:$0x1B0];
	_ =	sdelay $0x4  }
0x105: {  	[tilespmem:v23+s9+$0x0] =	vst.idx.msk $0xffff, v32  }
0x106: {  	v32 =	vld [tilespmem:$0xC0];
	_ =	sdelay $0x4  }
0x107: {  	[tilespmem:v24+s9+$0x0] =	vst.idx.msk $0xffff, v32  }
0x108: {  	v32 =	vld [tilespmem:$0x1C0];
	_ =	sdelay $0x4  }
0x109: {  	[tilespmem:v25+s9+$0x0] =	vst.idx.msk $0xffff, v32  }
0x10a: {  	v32 =	vld [tilespmem:$0xD0];
	_ =	sdelay $0x4  }
0x10b: {  	[tilespmem:v26+s9+$0x0] =	vst.idx.msk $0xffff, v32  }
0x10c: {  	v32 =	vld [tilespmem:$0x1D0];
	_ =	sdelay $0x4  }
0x10d: {  	[tilespmem:v27+s9+$0x0] =	vst.idx.msk $0xffff, v32  }
0x10e: {  	v32 =	vld [tilespmem:$0xE0];
	_ =	sdelay $0x4  }
0x10f: {  	[tilespmem:v28+s9+$0x0] =	vst.idx.msk $0xffff, v32  }
0x110: {  	v32 =	vld [tilespmem:$0x1E0];
	_ =	sdelay $0x4  }
0x111: {  	[tilespmem:v29+s9+$0x0] =	vst.idx.msk $0xffff, v32  }
0x112: {  	v32 =	vld [tilespmem:$0xF0];
	_ =	sdelay $0x4  }
0x113: {  	[tilespmem:v30+s9+$0x0] =	vst.idx.msk $0xffff, v32  }
0x114: {  	v32 =	vld [tilespmem:$0x1F0];
	_ =	sdelay $0x4  }
0x115: {  	[tilespmem:v31+s9+$0x0] =	vst.idx.msk $0xffff, v32  }
0x116: {  	[tilespmem:s11], [sflag:$0x1] =	stream.indirect.gather [hbm4b:s3+s10], $0x40, s9, s10, $0xb8;
	[tilespmem:$0x8400] =	vst v63  }
0x117: {  	_ = 	snop  }
0x118: {  	[tilespmem:s13], [sflag:$0x1] =	stream.indirect.gather [hbm4b:s3+s10], $0x40, s12, s10, $0xb8;
	[tilespmem:$0x8400] =	vst v63  }
0x119: {  	_ = 	snop  }
0x11a: {  	[tilespmem:s15], [sflag:$0x1] =	stream.indirect.gather [hbm4b:s3+s10], $0x40, s14, s10, $0xb8;
	[tilespmem:$0x8400] =	vst v63  }
0x11b: {  	_ = 	snop  }
0x11c: {  	[tilespmem:s17], [sflag:$0x1] =	stream.indirect.gather [hbm4b:s3+s10], $0x40, s16, s10, $0xb8;
	[tilespmem:$0x8400] =	vst v63  }
0x11d: {  	_ =	swait.ge [sflag:s18], $0x2000  }
0x11e: {  	[sflag:s18] =	ssyncset.done $0x0  }
0x11f: {  	[sflag:s18] =	ssyncadd.s32 $0xFFFFE000  }
0x120: {  	_ =	swait.ge [sflag:s18], $0x2000  }
0x121: {  	[sflag:s18] =	ssyncset.done $0x0  }
0x122: {  	[sflag:s18] =	ssyncadd.s32 $0xFFFFE000  }
0x123: {  	_ =	swait.ge [sflag:s18], $0x2000  }
0x124: {  	[sflag:s18] =	ssyncset.done $0x0  }
0x125: {  	[sflag:s18] =	ssyncadd.s32 $0xFFFFE000  }
0x126: {  	s19 =	sadd.s32 $0x1, s19;
	_ =	swait.ge [sflag:s18], $0x2000  }
0x127: {  	p0 =	sne.s32 s19, s4;
	[sflag:s18] =	ssyncset.done $0x0  }
.Ltmp1:
0x128: {  	s20 =	sadd.s32 s20, s5;
	[sflag:s18] =	ssyncadd.s32 $0xFFFFE000;
	(pc) =	sbr.rel @p0 .LBB2_1-.Ltmp1, $4  }
0x129: {  	[hbm4b:s20+s2] =	stream.linear.scatter [tilespmem:s11], [sflag:$0x2], $0x8000, $0x38;
	[tilespmem:$0x8400] =	vst v63  }
0x12a: {  	_ =	swait.ge [sflag:s7], $0x8000  }
0x12b: {  	[sflag:s7] =	ssyncset.done $0x0  }
0x12c: {  	[sflag:s7] =	ssyncadd.s32 $0xFFFF8000  }
0x12d: {  	_ =	sfence.sel $0x180000  }
0x12e: {  	[bflag:$0x0] =	sbarrier.arrive $0xFFFF  }
0x12f: {  	p0 =	sne.s32 s1, $0x0;
	_ =	strace $0x90000047  }
0x130: {  	s0 =	sadd.s32 @!p0 $0x100000, s0;
	[bflag:$0x2] =	sbarrier.arrive $0xFFFF  }
0x131: {  	[sflag:s0] =	ssyncadd.tile.s32 @!p0 $0x1;
	_ =	shalt  }
.Lfunc_end2:
_tile_overlayer_lowered:
.L_overlay_start_2:
0x132: {  	(tag) =	ssettag $0x2  }
0x133: {  	s0 =	rddreg [dreg:$0x0];
	s2 =	stileid.u32  }
0x134: {  	s1 =	rddreg [dreg:$0x1];
	p0 =	sne.s32 s2, $0x0  }
0x135: {  	s3 =	rddreg [dreg:$0x2];
	[bflag:$0x3] =	sbarrier.arrive $0xFFFF;
	s2 =	simm.s32 @!p0 $0x1C02  }
0x136: {  	[timem:s3], [sflag:s2] =	dma.local @!p0 [hbm:s0], s1  }
0x137: {  	s0 =	simm.s32 @!p0 $0x2  }
0x138: {  	_ =	swait.ge @!p0 [sflag:s0], s1  }
0x139: {  	s1 =	ssub.s32 @!p0 $0x0, s1;
	[sflag:s0] =	ssyncset.done @!p0 $0x0  }
0x13a: {  	[sflag:s0] =	ssyncadd.s32 @!p0 s1  }
0x13b: {  	[bflag:$0x3] =	sbarrier.arrive $0xFFFF  }
0x13c: {  	_ =	shalt  }

// kernel: sc_gather_13.3.cloned.1.call-start
scs
__scs_entry_jumppad:
0x0: {  	(pc) =	sbr.rel $0x88, $3  }
0x1: {  	(tag) =	ssettag $0x0;
	lr =	simm.s32 $0x1  }
0x2: {  	[smem:$0x3F9B] =	sst lr;
	_ =	strace $0xD0000000  }
0x3: {  	_ = 	snop  }
0x4: {  	_ = 	snop  }
0x5: {  	_ = 	snop  }
0x6: {  	_ = 	snop  }
0x7: {  	_ = 	snop  }
__scs_overlays_trampoline_lowered:
0x8: {  	[smem:$0x3FAA] =	sst s0  }
0x9: {  	[smem:$0x3FAB] =	sst s1  }
0xa: {  	[smem:$0x3FAC] =	sst s2  }
0xb: {  	[smem:$0x3FAD] =	sst s3  }
0xc: {  	[smem:$0x3FAE] =	sst s4  }
0xd: {  	[smem:$0x3FAF] =	sst s5  }
0xe: {  	[smem:$0x3FB0] =	sst s6  }
0xf: {  	[smem:$0x3FB1] =	sst s7  }
0x10: {  	[smem:$0x3FB2] =	sst s8  }
0x11: {  	[smem:$0x3FB3] =	sst s9;
	s0 =	simm.s32 @!p0 $0x0  }
0x12: {  	s1 =	sld [smem:$0x3F99];
	s0 =	simm.s32 @p0 $0x1  }
0x13: {  	[smem:$0x3FB4] =	sst s0;
	s0 =	simm.s32 @!p1 $0x0  }
0x14: {  	s2 =	sld [smem:$0x3F98];
	s0 =	simm.s32 @p1 $0x1  }
0x15: {  	[smem:$0x3FB5] =	sst s0;
	s0 =	simm.s32 @!p2 $0x0  }
0x16: {  	s3 =	sld [smem:$0x3FDB];
	s0 =	simm.s32 @p2 $0x1  }
0x17: {  	s4 =	simm.s32 $0x1BF5;
	[smem:$0x3FB7] =	sst s0  }
0x18: {  	s0 =	sld [smem:$0x3F9A];
	_ =	swait.ge [sflag:s4], $0x0  }
0x19: {  	s7 =	sld [smem:$0x3F9B]  }
0x1a: {  	s8 =	sadd.s32 $0xFFFFE003, lr  }
0x1b: {  	s9 =	sadd.s32 $0xFFFFFEF7, lr;
	s5 =	simm.s32 $0xFFFFFFFF;
	p2 =	slt.u32 s8, $0xFFFFF086  }
0x1c: {  	p1 =	slt.u32 s9, $0xF7A;
	s5 =	simm.s32 @!p2 $0x0  }
0x1d: {  	s5 =	simm.s32 @p1 $0x1;
	p0 =	seq.s32 s7, s2  }
0x1e: {  	s7 =	smul.u32 @!p0 $0xF7A, s2;
	p2 =	seq.s32 @!p0 s5, $0x0  }
0x1f: {  	s9 =	smul.u32 $0xF7A, s1;
	s8 =	simm.s32 @!p0 $0x1BF5;
	p2 =	por !p2, p0  }
0x20: {  	[sflag:s8] =	ssyncset.s32 @!p0 $0xFFFFF086;
	s6 =	sadd.s32 @!p0 s3, s7;
	s7 =	simm.s32 @!p0 $0x108  }
0x21: {  	s3 =	sadd.s32 s3, s9;
	s6 =	sadd.s32 @!p0 $0x88, s6;
	s7 =	simm.s32 @p2 $0x1082  }
0x22: {  	[simem:s7], [sflag:s8] =	dma.local @!p0 [hbm:s6], $0xF7A  }
0x23: {  	s9 =	sor.u32 $0xD0000000, s2;
	s6 =	simm.s32 $0x108;
	_ =	swait.ge @!p0 [sflag:s8], $0x0  }
0x24: {  	s3 =	sadd.s32 $0x88, s3;
	s6 =	simm.s32 @!p1 $0x1082;
	[sflag:s4] =	ssyncset.s32 $0xFFFFF086  }
0x25: {  	[simem:s6], [sflag:s4] =	dma.local [hbm:s3], $0xF7A  }
0x26: {  	[smem:$0x3F9B] =	sst s1;
	(tag) =	ssettag s2;
	_ =	strace s9  }
0x27: {  	s1 =	sld [smem:$0x3FAB]  }
0x28: {  	s2 =	sld [smem:$0x3FAC]  }
0x29: {  	s4 =	sld [smem:$0x3FAE]  }
0x2a: {  	p0 =	seq.s32 s5, $0x0;
	s5 =	sld [smem:$0x3FAF]  }
0x2b: {  	s6 =	sld [smem:$0x3FB0]  }
0x2c: {  	s7 =	sld [smem:$0x3FB1]  }
0x2d: {  	s3 =	simm.s32 $0x108;
	s8 =	sld [smem:$0x3FB2]  }
0x2e: {  	s3 =	simm.s32 @!p0 $0x1082;
	s9 =	sld [smem:$0x3FB3]  }
0x2f: {  	lr =	sadd.s32 s0, s3;
	s0 =	sld [smem:$0x3FAA]  }
0x30: {  	s3 =	sld [smem:$0x3FAD]  }
0x31: {  	[smem:$0x3FB6] =	sst s10  }
0x32: {  	s10 =	sld [smem:$0x3FB4];
	_ =	sdelay $0x3  }
0x33: {  	p0 =	seq.s32 s10, $0x1;
	s10 =	sld [smem:$0x3FB6];
	_ =	sdelay $0x3  }
0x34: {  	[smem:$0x3FB6] =	sst s10  }
0x35: {  	s10 =	sld [smem:$0x3FB5];
	_ =	sdelay $0x3  }
0x36: {  	p1 =	seq.s32 s10, $0x1;
	s10 =	sld [smem:$0x3FB6];
	_ =	sdelay $0x3  }
0x37: {  	[smem:$0x3FB6] =	sst s10  }
0x38: {  	s10 =	sld [smem:$0x3FB7]  }
0x39: {  	_ = 	snop;
	(pc) =	sbr.ind lr, $3  }
0x3a: {  	_ = 	snop  }
0x3b: {  	_ = 	snop  }
0x3c: {  	p2 =	seq.s32 s10, $0x1;
	s10 =	sld [smem:$0x3FB6]  }
0x3d: {  	_ =	shalt  }
0x3e: {  	_ =	shalt  }
0x3f: {  	_ =	shalt  }
0x40: {  	_ =	shalt  }
0x41: {  	_ =	shalt  }
0x42: {  	_ =	shalt  }
0x43: {  	_ =	shalt  }
0x44: {  	_ =	shalt  }
0x45: {  	_ =	shalt  }
0x46: {  	_ =	shalt  }
0x47: {  	_ =	shalt  }
0x48: {  	_ =	shalt  }
0x49: {  	_ =	shalt  }
0x4a: {  	_ =	shalt  }
0x4b: {  	_ =	shalt  }
0x4c: {  	_ =	shalt  }
0x4d: {  	_ =	shalt  }
0x4e: {  	_ =	shalt  }
0x4f: {  	_ =	shalt  }
0x50: {  	_ =	shalt  }
0x51: {  	_ =	shalt  }
0x52: {  	_ =	shalt  }
0x53: {  	_ =	shalt  }
0x54: {  	_ =	shalt  }
0x55: {  	_ =	shalt  }
0x56: {  	_ =	shalt  }
0x57: {  	_ =	shalt  }
0x58: {  	_ =	shalt  }
0x59: {  	_ =	shalt  }
0x5a: {  	_ =	shalt  }
0x5b: {  	_ =	shalt  }
0x5c: {  	_ =	shalt  }
0x5d: {  	_ =	shalt  }
0x5e: {  	_ =	shalt  }
0x5f: {  	_ =	shalt  }
0x60: {  	_ =	shalt  }
0x61: {  	_ =	shalt  }
0x62: {  	_ =	shalt  }
0x63: {  	_ =	shalt  }
0x64: {  	_ =	shalt  }
0x65: {  	_ =	shalt  }
0x66: {  	_ =	shalt  }
0x67: {  	_ =	shalt  }
0x68: {  	_ =	shalt  }
0x69: {  	_ =	shalt  }
0x6a: {  	_ =	shalt  }
0x6b: {  	_ =	shalt  }
0x6c: {  	_ =	shalt  }
0x6d: {  	_ =	shalt  }
0x6e: {  	_ =	shalt  }
0x6f: {  	_ =	shalt  }
0x70: {  	_ =	shalt  }
0x71: {  	_ =	shalt  }
0x72: {  	_ =	shalt  }
0x73: {  	_ =	shalt  }
0x74: {  	_ =	shalt  }
0x75: {  	_ =	shalt  }
0x76: {  	_ =	shalt  }
0x77: {  	_ =	shalt  }
0x78: {  	_ =	shalt  }
0x79: {  	_ =	shalt  }
0x7a: {  	_ =	shalt  }
0x7b: {  	_ =	shalt  }
0x7c: {  	_ =	shalt  }
0x7d: {  	_ =	shalt  }
0x7e: {  	_ =	shalt  }
0x7f: {  	_ =	shalt  }
0x80: {  	_ =	shalt  }
0x81: {  	_ =	shalt  }
0x82: {  	_ =	shalt  }
0x83: {  	_ =	shalt  }
0x84: {  	_ =	shalt  }
0x85: {  	_ =	shalt  }
0x86: {  	_ =	shalt  }
0x87: {  	_ =	shalt  }
.Lfunc_end0:
.L_simem_size_0:
called_computation.1_lowered:
.L_overlay_start_0:
0x88: {  	s2 =	sld [smem:$0x3FD9]  }
0x89: {  	s3 =	sld [smem:$0x3FFE];
	_ =	sdelay $0x1  }
0x8a: {  	s1 =	srdreg.scid  }
0x8b: {  	s0 =	sand.u32 $0x1, s1  }
0x8c: {  	s17 =	sshll.u32 s0, $0xA;
	s2 =	sadd.s32 s3, s2  }
0x8d: {  	s2 =	sadd.s32 s2, s17  }
0x8e: {  	[smem:$0x3FC2] =	sst s2  }
0x8f: {  	_ = 	snop  }
0x90: {  	(tm) =	ssettm $0x1  }
0x91: {  	s18 =	sld [smem:$0x3FFB];
	_ =	sdelay $0x3  }
0x92: {  	_ =	strace s18  }
0x93: {  	s2 =	sld [smem:$0x3FFC];
	_ =	sdelay $0x3  }
0x94: {  	_ =	strace s2  }
0x95: {  	s2 =	sld [smem:$0x3FFD];
	_ =	sdelay $0x3  }
0x96: {  	_ =	strace s2  }
0x97: {  	_ =	strace $0x8FFFFFFF  }
0x98: {  	s19 =	sld [smem:$0x3FDB];
	_ =	sdelay $0x1  }
0x99: {  	s20 =	simm.s32 $_scs_section_size  }
0x9a: {  	s4 =	simm.s32 $_size__tile_overlayer_lowered;
	s5 =	simm.s32 $_tile_overlayer_lowered  }
0x9b: {  	s6 =	simm.s32 $0x1BFF;
	s21 =	sshll.u32 s5, $0x1;
	s3 =	sadd.s32 s20, s19  }
0x9c: {  	s22 =	simm.s32 $0x0;
	s4 =	sshll.u32 s4, $0x1;
	s5 =	sadd.s32 s21, s3  }
0x9d: {  	[timem:s22], [sflag:s6] =	dma.local [hbm:s5], s4  }
0x9e: {  	_ =	swait.ge [sflag:s6], s4  }
0x9f: {  	s4 =	ssub.s32 $0x0, s4;
	[sflag:s6] =	ssyncset.done $0x0  }
0xa0: {  	[sflag:s6] =	ssyncadd.s32 s4;
	_ =	sdelay $0x1  }
0xa1: {  	s23 =	simm.s32 $0x1B8B  }
0xa2: {  	_ =	swait.ge [sflag:s23], $0x1  }
0xa3: {  	[sflag:s23] =	ssyncset.done $0x0  }
0xa4: {  	[sflag:s23] =	ssyncadd.s32 $0xFFFFFFFF  }
0xa5: {  	s4 =	sld [smem:$0x0]  }
0xa6: {  	s5 =	sand.u32 $0xFFFFFFFE, s1  }
0xa7: {  	p0 =	sne.s32 s1, s5  }
0xa8: {  	s5 =	sshll.u32 @p0 s5, $0xE  }
0xa9: {  	s5 =	sadd.s32 @p0 $0x11B8D, s5;
	s6 =	sshll.u32 @p0 s4, $0x11  }
0xaa: {  	s5 =	sor.u32 @p0 s6, s5  }
0xab: {  	[sflag:s5] =	ssyncadd.remote.s32 @p0 $0x1;
	_ =	sdelay $0x1  }
0xac: {  	s5 =	simm.s32 @p0 $0x1B8D  }
0xad: {  	_ =	swait.eq @p0 [sflag:s5], $0x1  }
0xae: {  	[sflag:s5] =	ssyncadd.s32 @p0 $0xFFFFFFFF  }
0xaf: {  	s6 =	sshll.u32 @!p0 s1, $0xE  }
0xb0: {  	s6 =	sor.u32 @!p0 $0x4000, s6;
	s5 =	simm.s32 @!p0 $0x1B8D  }
0xb1: {  	s4 =	sshll.u32 @!p0 s4, $0x11;
	s6 =	sadd.s32 @!p0 $0x11B8D, s6;
	_ =	swait.eq @!p0 [sflag:s5], $0x1  }
0xb2: {  	s4 =	sor.u32 @!p0 s4, s6;
	[sflag:s5] =	ssyncadd.s32 @!p0 $0xFFFFFFFF  }
0xb3: {  	s25 =	simm.s32 $0x1B8E;
	s24 =	sld [smem:$0x3FFE];
	[sflag:s4] =	ssyncadd.remote.s32 @!p0 $0x1  }
0xb4: {  	s26 =	simm.s32 $execute0_lowered;
	[smem:$0x3FD2] =	sst s25  }
0xb5: {  	s5 =	sshll.u32 s26, $0x1;
	_ =	strace $0x80000049;
	[dreg:$0x1] =	wrdreg $0xFFFFFFFF  }
0xb6: {  	s28 =	simm.s32 $_size_execute0_lowered;
	s3 =	sadd.s32 s3, s5;
	[dreg:$0x0] =	wrdreg $0x0  }
0xb7: {  	s5 =	sshll.u32 s28, $0x1;
	[dreg:$0x2] =	wrdreg s3  }
0xb8: {  	[dreg:$0x3] =	wrdreg s5  }
0xb9: {  	[dreg:$0x4] =	wrdreg $0xC0  }
0xba: {  	_ =	task [dreg:s22], $0x5FFFF  }
0xbb: {  	[dreg:$0x1] =	wrdreg $0xFFFFFFFF  }
0xbc: {  	[dreg:$0x0] =	wrdreg $0x60  }
0xbd: {  	[dreg:$0x2] =	wrdreg s24  }
0xbe: {  	[dreg:$0x3] =	wrdreg $0xA  }
0xbf: {  	_ =	task.clear_ibuf [dreg:s22], $0x4FFFF;
	_ =	strace $0x90000049  }
0xc0: {  	s29 =	simm.s32 $0xA;
	_ =	strace $0x8000004B  }
0xc1: {  	_ =	swait.ge [sflag:s29], $0x1  }
0xc2: {  	[sflag:s29] =	ssyncadd.s32 $0xFFFFFFFF  }
0xc3: {  	_ =	strace $0x9000004B  }
0xc4: {  	_ =	sfence  }
0xc5: {  	s30 =	sld [smem:$0x0];
	_ =	sdelay $0x2  }
0xc6: {  	s31 =	sshll.u32 s1, $0xD;
	s1 =	sshrl.u32 s1, $0x2  }
0xc7: {  	s4 =	sand.u32 $0x4000, s31;
	s1 =	sadd.s32 s1, s30  }
0xc8: {  	s0 =	sor.u32 s4, s0;
	s1 =	sshll.u32 s1, $0x11  }
0xc9: {  	s0 =	sor.u32 s1, s0  }
0xca: {  	s0 =	sadd.s32 $0x8F2B, s0  }
0xcb: {  	[sflag:s0] =	ssyncadd.remote.s32 $0x1  }
0xcc: {  	_ =	sfence.sel $0xFFFF  }
0xcd: {  	[dreg:$0x0] =	wrdreg $0xFFFFFFFF;
	(pc) =	sbr.abs _section_cstart, $3  }
0xce: {  	[dreg:$0x1] =	wrdreg $0xFFFFFFFF  }
0xcf: {  	_ =	task.clear_ibuf [dreg:s22], $0x2FFFF;
	_ =	strace $0x9FFFFFFF  }
0xd0: {  	(tm) =	ssettm $0x7FFFFFFF  }
0xd1: {  	_ =	shalt  }
tec
execute0_lowered:
.L_overlay_start_1:
0x0: {  	(tag) =	ssettag $0x1  }
0x1: {  	v0 =	vlaneseq.u32  }
0x2: {  	s0 =	srdreg.scid;
	s4 =	rddreg [dreg:$0x0];
	v0 =	vmul.u32 $0x2, v0  }
0x3: {  	s1 =	rddreg [dreg:$0x1];
	s2 =	simm.s32 $0x0;
	s9 =	simm.s32 $0x200  }
0x4: {  	s10 =	simm.s32 $0x80;
	s11 =	simm.s32 $0x400;
	s12 =	simm.s32 $0x280;
	v1 =	vor.u32 $0x1, v0  }
0x5: {  	s13 =	simm.s32 $0x2400;
	s14 =	simm.s32 $0x300;
	s15 =	simm.s32 $0x4400;
	v2 =	vor.u32 $0x20, v0;
	v3 =	vor.u32 $0x21, v0;
	v4 =	vor.u32 $0x40, v0  }
0x6: {  	s16 =	simm.s32 $0x380;
	s17 =	simm.s32 $0x6400;
	s18 =	simm.s32 $0x1;
	v5 =	vor.u32 $0x41, v0;
	v6 =	vor.u32 $0x60, v0;
	v7 =	vor.u32 $0x61, v0  }
0x7: {  	s19 =	simm.s32 $0x0;
	s3 =	sand.u32 $0x1, s0;
	s0 =	stileid.u32;
	v8 =	vor.u32 $0x80, v0;
	v9 =	vor.u32 $0x81, v0;
	v10 =	vor.u32 $0xA0, v0  }
0x8: {  	[smem:$0x7FF] =	sst s2;
	s5 =	sshll.u32 s0, $0x9;
	s6 =	sshll.u32 s3, $0x8;
	v11 =	vor.u32 $0xA1, v0;
	v12 =	vor.u32 $0xC0, v0;
	v13 =	vor.u32 $0xC1, v0  }
0x9: {  	_ =	strace $0x8000004A;
	s29 =	ssub.s32 $0x2, s3;
	s5 =	sor.u32 s6, s5;
	v14 =	vor.u32 $0xE0, v0;
	v15 =	vor.u32 $0xE1, v0;
	v16 =	vor.u32 $0x100, v0  }
0xa: {  	s30 =	sshll.u32 s0, $0xD;
	s31 =	sshll.u32 s3, $0xC;
	v17 =	vor.u32 $0x101, v0;
	v18 =	vor.u32 $0x120, v0;
	v19 =	vor.u32 $0x121, v0;
	s5 =	sor.u32 $0x34000, s5  }
0xb: {  	s3 =	sadd.s32 $0xE200, s4;
	s8 =	sshrl.u32 s29, $0x1;
	v20 =	vor.u32 $0x140, v0;
	v21 =	vor.u32 $0x141, v0;
	v22 =	vor.u32 $0x160, v0;
	s5 =	sshrl.u32 s5, $0x3  }
0xc: {  	v23 =	vor.u32 $0x161, v0;
	v24 =	vor.u32 $0x180, v0;
	v25 =	vor.u32 $0x181, v0;
	s6 =	ssub.s32 s29, s8;
	s7 =	sadd.s32 s5, s4;
	s5 =	sadd.s32 s30, s4  }
0xd: {  	v26 =	vor.u32 $0x1A0, v0;
	v27 =	vor.u32 $0x1A1, v0;
	v28 =	vor.u32 $0x1C0, v0;
	s8 =	simm.s32 $0x100;
	s4 =	smax.u32 s6, $0x1;
	s5 =	sadd.s32 s31, s5  }
0xe: {  	v29 =	vor.u32 $0x1C1, v0;
	v30 =	vor.u32 $0x1E0, v0;
	v31 =	vor.u32 $0x1E1, v0;
	s6 =	sadd.s32 $0x1600, s7;
	s7 =	simm.s32 $0x2;
	s5 =	sadd.s32 $0x94F400, s5  }
.LBB2_1:
0xf: {  	s20 =	sadd.s32 $0xFFFFFC00, s6  }
0x10: {  	[tilespmem:s2], [sflag:$0x2] =	stream.linear.gather [hbm4b:s20+s2], $0x100, $0x38;
	[tilespmem:$0x8400] =	vst v63  }
0x11: {  	_ =	swait.ge [sflag:s7], $0x100  }
0x12: {  	[sflag:s7] =	ssyncset.done $0x0  }
0x13: {  	[sflag:s7] =	ssyncadd.s32 $0xFFFFFF00  }
0x14: {  	[tilespmem:s8], [sflag:$0x2] =	stream.linear.gather [hbm4b:s6+s2], $0x100, $0x38;
	[tilespmem:$0x8400] =	vst v63  }
0x15: {  	_ =	swait.ge [sflag:s7], $0x100  }
0x16: {  	[sflag:s7] =	ssyncset.done $0x0  }
0x17: {  	[sflag:s7] =	ssyncadd.s32 $0xFFFFFF00  }
0x18: {  	v32 =	vld [tilespmem:$0x0];
	_ =	sdelay $0x4  }
0x19: {  	[tilespmem:v0+s9+$0x0] =	vst.idx.msk $0xffff, v32  }
0x1a: {  	v32 =	vld [tilespmem:$0x100];
	_ =	sdelay $0x4  }
0x1b: {  	[tilespmem:v1+s9+$0x0] =	vst.idx.msk $0xffff, v32  }
0x1c: {  	v32 =	vld [tilespmem:$0x10];
	_ =	sdelay $0x4  }
0x1d: {  	[tilespmem:v2+s9+$0x0] =	vst.idx.msk $0xffff, v32  }
0x1e: {  	v32 =	vld [tilespmem:$0x110];
	_ =	sdelay $0x4  }
0x1f: {  	[tilespmem:v3+s9+$0x0] =	vst.idx.msk $0xffff, v32  }
0x20: {  	v32 =	vld [tilespmem:$0x20];
	_ =	sdelay $0x4  }
0x21: {  	[tilespmem:v4+s9+$0x0] =	vst.idx.msk $0xffff, v32  }
0x22: {  	v32 =	vld [tilespmem:$0x120];
	_ =	sdelay $0x4  }
0x23: {  	[tilespmem:v5+s9+$0x0] =	vst.idx.msk $0xffff, v32  }
0x24: {  	v32 =	vld [tilespmem:$0x30];
	_ =	sdelay $0x4  }
0x25: {  	[tilespmem:v6+s9+$0x0] =	vst.idx.msk $0xffff, v32  }
0x26: {  	v32 =	vld [tilespmem:$0x130];
	_ =	sdelay $0x4  }
0x27: {  	[tilespmem:v7+s9+$0x0] =	vst.idx.msk $0xffff, v32  }
0x28: {  	v32 =	vld [tilespmem:$0x40];
	_ =	sdelay $0x4  }
0x29: {  	[tilespmem:v8+s9+$0x0] =	vst.idx.msk $0xffff, v32  }
0x2a: {  	v32 =	vld [tilespmem:$0x140];
	_ =	sdelay $0x4  }
0x2b: {  	[tilespmem:v9+s9+$0x0] =	vst.idx.msk $0xffff, v32  }
0x2c: {  	v32 =	vld [tilespmem:$0x50];
	_ =	sdelay $0x4  }
0x2d: {  	[tilespmem:v10+s9+$0x0] =	vst.idx.msk $0xffff, v32  }
0x2e: {  	v32 =	vld [tilespmem:$0x150];
	_ =	sdelay $0x4  }
0x2f: {  	[tilespmem:v11+s9+$0x0] =	vst.idx.msk $0xffff, v32  }
0x30: {  	v32 =	vld [tilespmem:$0x60];
	_ =	sdelay $0x4  }
0x31: {  	[tilespmem:v12+s9+$0x0] =	vst.idx.msk $0xffff, v32  }
0x32: {  	v32 =	vld [tilespmem:$0x160];
	_ =	sdelay $0x4  }
0x33: {  	[tilespmem:v13+s9+$0x0] =	vst.idx.msk $0xffff, v32  }
0x34: {  	v32 =	vld [tilespmem:$0x70];
	_ =	sdelay $0x4  }
0x35: {  	[tilespmem:v14+s9+$0x0] =	vst.idx.msk $0xffff, v32  }
0x36: {  	v32 =	vld [tilespmem:$0x170];
	_ =	sdelay $0x4  }
0x37: {  	[tilespmem:v15+s9+$0x0] =	vst.idx.msk $0xffff, v32  }
0x38: {  	v32 =	vld [tilespmem:$0x80];
	_ =	sdelay $0x4  }
0x39: {  	[tilespmem:v16+s9+$0x0] =	vst.idx.msk $0xffff, v32  }
0x3a: {  	v32 =	vld [tilespmem:$0x180];
	_ =	sdelay $0x4  }
0x3b: {  	[tilespmem:v17+s9+$0x0] =	vst.idx.msk $0xffff, v32  }
0x3c: {  	v32 =	vld [tilespmem:$0x90];
	_ =	sdelay $0x4  }
0x3d: {  	[tilespmem:v18+s9+$0x0] =	vst.idx.msk $0xffff, v32  }
0x3e: {  	v32 =	vld [tilespmem:$0x190];
	_ =	sdelay $0x4  }
0x3f: {  	[tilespmem:v19+s9+$0x0] =	vst.idx.msk $0xffff, v32  }
0x40: {  	v32 =	vld [tilespmem:$0xA0];
	_ =	sdelay $0x4  }
0x41: {  	[tilespmem:v20+s9+$0x0] =	vst.idx.msk $0xffff, v32  }
0x42: {  	v32 =	vld [tilespmem:$0x1A0];
	_ =	sdelay $0x4  }
0x43: {  	[tilespmem:v21+s9+$0x0] =	vst.idx.msk $0xffff, v32  }
0x44: {  	v32 =	vld [tilespmem:$0xB0];
	_ =	sdelay $0x4  }
0x45: {  	[tilespmem:v22+s9+$0x0] =	vst.idx.msk $0xffff, v32  }
0x46: {  	v32 =	vld [tilespmem:$0x1B0];
	_ =	sdelay $0x4  }
0x47: {  	[tilespmem:v23+s9+$0x0] =	vst.idx.msk $0xffff, v32  }
0x48: {  	v32 =	vld [tilespmem:$0xC0];
	_ =	sdelay $0x4  }
0x49: {  	[tilespmem:v24+s9+$0x0] =	vst.idx.msk $0xffff, v32  }
0x4a: {  	v32 =	vld [tilespmem:$0x1C0];
	_ =	sdelay $0x4  }
0x4b: {  	[tilespmem:v25+s9+$0x0] =	vst.idx.msk $0xffff, v32  }
0x4c: {  	v32 =	vld [tilespmem:$0xD0];
	_ =	sdelay $0x4  }
0x4d: {  	[tilespmem:v26+s9+$0x0] =	vst.idx.msk $0xffff, v32  }
0x4e: {  	v32 =	vld [tilespmem:$0x1D0];
	_ =	sdelay $0x4  }
0x4f: {  	[tilespmem:v27+s9+$0x0] =	vst.idx.msk $0xffff, v32  }
0x50: {  	v32 =	vld [tilespmem:$0xE0];
	_ =	sdelay $0x4  }
0x51: {  	[tilespmem:v28+s9+$0x0] =	vst.idx.msk $0xffff, v32  }
0x52: {  	v32 =	vld [tilespmem:$0x1E0];
	_ =	sdelay $0x4  }
0x53: {  	[tilespmem:v29+s9+$0x0] =	vst.idx.msk $0xffff, v32  }
0x54: {  	v32 =	vld [tilespmem:$0xF0];
	_ =	sdelay $0x4  }
0x55: {  	[tilespmem:v30+s9+$0x0] =	vst.idx.msk $0xffff, v32  }
0x56: {  	v32 =	vld [tilespmem:$0x1F0];
	_ =	sdelay $0x4  }
0x57: {  	[tilespmem:v31+s9+$0x0] =	vst.idx.msk $0xffff, v32  }
0x58: {  	[tilespmem:s11], [sflag:$0x1] =	stream.indirect.gather [hbm4b:s3+s10], $0x40, s9, s10, $0xb8;
	[tilespmem:$0x8400] =	vst v63  }
0x59: {  	_ = 	snop  }
0x5a: {  	[tilespmem:s13], [sflag:$0x1] =	stream.indirect.gather [hbm4b:s3+s10], $0x40, s12, s10, $0xb8;
	[tilespmem:$0x8400] =	vst v63  }
0x5b: {  	_ = 	snop  }
0x5c: {  	[tilespmem:s15], [sflag:$0x1] =	stream.indirect.gather [hbm4b:s3+s10], $0x40, s14, s10, $0xb8;
	[tilespmem:$0x8400] =	vst v63  }
0x5d: {  	_ = 	snop  }
0x5e: {  	[tilespmem:s17], [sflag:$0x1] =	stream.indirect.gather [hbm4b:s3+s10], $0x40, s16, s10, $0xb8;
	[tilespmem:$0x8400] =	vst v63  }
0x5f: {  	_ =	swait.ge [sflag:s18], $0x2000  }
0x60: {  	[sflag:s18] =	ssyncset.done $0x0  }
0x61: {  	[sflag:s18] =	ssyncadd.s32 $0xFFFFE000  }
0x62: {  	_ =	swait.ge [sflag:s18], $0x2000  }
0x63: {  	[sflag:s18] =	ssyncset.done $0x0  }
0x64: {  	[sflag:s18] =	ssyncadd.s32 $0xFFFFE000  }
0x65: {  	_ =	swait.ge [sflag:s18], $0x2000  }
0x66: {  	[sflag:s18] =	ssyncset.done $0x0  }
0x67: {  	[sflag:s18] =	ssyncadd.s32 $0xFFFFE000  }
0x68: {  	_ =	swait.ge [sflag:s18], $0x2000  }
0x69: {  	[sflag:s18] =	ssyncset.done $0x0  }
0x6a: {  	s31 =	sadd.s32 $0x0, s5;
	[sflag:s18] =	ssyncadd.s32 $0xFFFFE000  }
0x6b: {  	[hbm4b:s31+s2] =	stream.linear.scatter [tilespmem:s11], [sflag:$0x2], $0x8000, $0x38;
	[tilespmem:$0x8400] =	vst v63  }
0x6c: {  	s22 =	simm.s32 $0x40000;
	_ =	swait.ge [sflag:s7], $0x8000  }
0x6d: {  	s21 =	sadd.s32 $0x800, s6;
	s20 =	simm.s32 $0x20000;
	[sflag:s7] =	ssyncset.done $0x0  }
.LBB2_2:
0x6e: {  	p0 =	sne.s32 s22, $0x180000;
	s23 =	sadd.s32 $0xFFFFFC00, s21;
	[sflag:s7] =	ssyncadd.s32 $0xFFFF8000  }
0x6f: {  	[tilespmem:s2], [sflag:$0x2] =	stream.linear.gather [hbm4b:s23+s2], $0x100, $0x38;
	[tilespmem:$0x8400] =	vst v63  }
0x70: {  	s23 =	smov.u32 s22;
	s22 =	sadd.s32 $0x20000, s22;
	_ =	swait.ge [sflag:s7], $0x100  }
0x71: {  	[sflag:s7] =	ssyncset.done $0x0  }
0x72: {  	[sflag:s7] =	ssyncadd.s32 $0xFFFFFF00  }
0x73: {  	[tilespmem:s8], [sflag:$0x2] =	stream.linear.gather [hbm4b:s21+s2], $0x100, $0x38;
	[tilespmem:$0x8400] =	vst v63  }
0x74: {  	_ =	swait.ge [sflag:s7], $0x100  }
0x75: {  	[sflag:s7] =	ssyncset.done $0x0  }
0x76: {  	[sflag:s7] =	ssyncadd.s32 $0xFFFFFF00  }
0x77: {  	v32 =	vld [tilespmem:$0x0];
	_ =	sdelay $0x4  }
0x78: {  	[tilespmem:v0+s9+$0x0] =	vst.idx.msk $0xffff, v32  }
0x79: {  	v32 =	vld [tilespmem:$0x100];
	_ =	sdelay $0x4  }
0x7a: {  	[tilespmem:v1+s9+$0x0] =	vst.idx.msk $0xffff, v32  }
0x7b: {  	v32 =	vld [tilespmem:$0x10];
	_ =	sdelay $0x4  }
0x7c: {  	[tilespmem:v2+s9+$0x0] =	vst.idx.msk $0xffff, v32  }
0x7d: {  	v32 =	vld [tilespmem:$0x110];
	_ =	sdelay $0x4  }
0x7e: {  	[tilespmem:v3+s9+$0x0] =	vst.idx.msk $0xffff, v32  }
0x7f: {  	v32 =	vld [tilespmem:$0x20];
	_ =	sdelay $0x4  }
0x80: {  	[tilespmem:v4+s9+$0x0] =	vst.idx.msk $0xffff, v32  }
0x81: {  	v32 =	vld [tilespmem:$0x120];
	_ =	sdelay $0x4  }
0x82: {  	[tilespmem:v5+s9+$0x0] =	vst.idx.msk $0xffff, v32  }
0x83: {  	v32 =	vld [tilespmem:$0x30];
	_ =	sdelay $0x4  }
0x84: {  	[tilespmem:v6+s9+$0x0] =	vst.idx.msk $0xffff, v32  }
0x85: {  	v32 =	vld [tilespmem:$0x130];
	_ =	sdelay $0x4  }
0x86: {  	[tilespmem:v7+s9+$0x0] =	vst.idx.msk $0xffff, v32  }
0x87: {  	v32 =	vld [tilespmem:$0x40];
	_ =	sdelay $0x4  }
0x88: {  	[tilespmem:v8+s9+$0x0] =	vst.idx.msk $0xffff, v32  }
0x89: {  	v32 =	vld [tilespmem:$0x140];
	_ =	sdelay $0x4  }
0x8a: {  	[tilespmem:v9+s9+$0x0] =	vst.idx.msk $0xffff, v32  }
0x8b: {  	v32 =	vld [tilespmem:$0x50];
	_ =	sdelay $0x4  }
0x8c: {  	[tilespmem:v10+s9+$0x0] =	vst.idx.msk $0xffff, v32  }
0x8d: {  	v32 =	vld [tilespmem:$0x150];
	_ =	sdelay $0x4  }
0x8e: {  	[tilespmem:v11+s9+$0x0] =	vst.idx.msk $0xffff, v32  }
0x8f: {  	v32 =	vld [tilespmem:$0x60];
	_ =	sdelay $0x4  }
0x90: {  	[tilespmem:v12+s9+$0x0] =	vst.idx.msk $0xffff, v32  }
0x91: {  	v32 =	vld [tilespmem:$0x160];
	_ =	sdelay $0x4  }
0x92: {  	[tilespmem:v13+s9+$0x0] =	vst.idx.msk $0xffff, v32  }
0x93: {  	v32 =	vld [tilespmem:$0x70];
	_ =	sdelay $0x4  }
0x94: {  	[tilespmem:v14+s9+$0x0] =	vst.idx.msk $0xffff, v32  }
0x95: {  	v32 =	vld [tilespmem:$0x170];
	_ =	sdelay $0x4  }
0x96: {  	[tilespmem:v15+s9+$0x0] =	vst.idx.msk $0xffff, v32  }
0x97: {  	v32 =	vld [tilespmem:$0x80];
	_ =	sdelay $0x4  }
0x98: {  	[tilespmem:v16+s9+$0x0] =	vst.idx.msk $0xffff, v32  }
0x99: {  	v32 =	vld [tilespmem:$0x180];
	_ =	sdelay $0x4  }
0x9a: {  	[tilespmem:v17+s9+$0x0] =	vst.idx.msk $0xffff, v32  }
0x9b: {  	v32 =	vld [tilespmem:$0x90];
	_ =	sdelay $0x4  }
0x9c: {  	[tilespmem:v18+s9+$0x0] =	vst.idx.msk $0xffff, v32  }
0x9d: {  	v32 =	vld [tilespmem:$0x190];
	_ =	sdelay $0x4  }
0x9e: {  	[tilespmem:v19+s9+$0x0] =	vst.idx.msk $0xffff, v32  }
0x9f: {  	v32 =	vld [tilespmem:$0xA0];
	_ =	sdelay $0x4  }
0xa0: {  	[tilespmem:v20+s9+$0x0] =	vst.idx.msk $0xffff, v32  }
0xa1: {  	v32 =	vld [tilespmem:$0x1A0];
	_ =	sdelay $0x4  }
0xa2: {  	[tilespmem:v21+s9+$0x0] =	vst.idx.msk $0xffff, v32  }
0xa3: {  	v32 =	vld [tilespmem:$0xB0];
	_ =	sdelay $0x4  }
0xa4: {  	[tilespmem:v22+s9+$0x0] =	vst.idx.msk $0xffff, v32  }
0xa5: {  	v32 =	vld [tilespmem:$0x1B0];
	_ =	sdelay $0x4  }
0xa6: {  	[tilespmem:v23+s9+$0x0] =	vst.idx.msk $0xffff, v32  }
0xa7: {  	v32 =	vld [tilespmem:$0xC0];
	_ =	sdelay $0x4  }
0xa8: {  	[tilespmem:v24+s9+$0x0] =	vst.idx.msk $0xffff, v32  }
0xa9: {  	v32 =	vld [tilespmem:$0x1C0];
	_ =	sdelay $0x4  }
0xaa: {  	[tilespmem:v25+s9+$0x0] =	vst.idx.msk $0xffff, v32  }
0xab: {  	v32 =	vld [tilespmem:$0xD0];
	_ =	sdelay $0x4  }
0xac: {  	[tilespmem:v26+s9+$0x0] =	vst.idx.msk $0xffff, v32  }
0xad: {  	v32 =	vld [tilespmem:$0x1D0];
	_ =	sdelay $0x4  }
0xae: {  	[tilespmem:v27+s9+$0x0] =	vst.idx.msk $0xffff, v32  }
0xaf: {  	v32 =	vld [tilespmem:$0xE0];
	_ =	sdelay $0x4  }
0xb0: {  	[tilespmem:v28+s9+$0x0] =	vst.idx.msk $0xffff, v32  }
0xb1: {  	v32 =	vld [tilespmem:$0x1E0];
	_ =	sdelay $0x4  }
0xb2: {  	[tilespmem:v29+s9+$0x0] =	vst.idx.msk $0xffff, v32  }
0xb3: {  	v32 =	vld [tilespmem:$0xF0];
	_ =	sdelay $0x4  }
0xb4: {  	[tilespmem:v30+s9+$0x0] =	vst.idx.msk $0xffff, v32  }
0xb5: {  	v32 =	vld [tilespmem:$0x1F0];
	_ =	sdelay $0x4  }
0xb6: {  	[tilespmem:v31+s9+$0x0] =	vst.idx.msk $0xffff, v32  }
0xb7: {  	[tilespmem:s11], [sflag:$0x1] =	stream.indirect.gather [hbm4b:s3+s10], $0x40, s9, s10, $0xb8;
	[tilespmem:$0x8400] =	vst v63  }
0xb8: {  	_ = 	snop  }
0xb9: {  	[tilespmem:s13], [sflag:$0x1] =	stream.indirect.gather [hbm4b:s3+s10], $0x40, s12, s10, $0xb8;
	[tilespmem:$0x8400] =	vst v63  }
0xba: {  	_ = 	snop  }
0xbb: {  	[tilespmem:s15], [sflag:$0x1] =	stream.indirect.gather [hbm4b:s3+s10], $0x40, s14, s10, $0xb8;
	[tilespmem:$0x8400] =	vst v63  }
0xbc: {  	_ = 	snop  }
0xbd: {  	[tilespmem:s17], [sflag:$0x1] =	stream.indirect.gather [hbm4b:s3+s10], $0x40, s16, s10, $0xb8;
	[tilespmem:$0x8400] =	vst v63  }
0xbe: {  	_ =	swait.ge [sflag:s18], $0x2000  }
0xbf: {  	[sflag:s18] =	ssyncset.done $0x0  }
0xc0: {  	[sflag:s18] =	ssyncadd.s32 $0xFFFFE000  }
0xc1: {  	_ =	swait.ge [sflag:s18], $0x2000  }
0xc2: {  	[sflag:s18] =	ssyncset.done $0x0  }
0xc3: {  	[sflag:s18] =	ssyncadd.s32 $0xFFFFE000  }
0xc4: {  	_ =	swait.ge [sflag:s18], $0x2000  }
0xc5: {  	[sflag:s18] =	ssyncset.done $0x0  }
0xc6: {  	[sflag:s18] =	ssyncadd.s32 $0xFFFFE000  }
0xc7: {  	_ =	swait.ge [sflag:s18], $0x2000  }
.Ltmp0:
0xc8: {  	[sflag:s18] =	ssyncset.done $0x0;
	(pc) =	sbr.rel @p0 .LBB2_2-.Ltmp0, $4  }
0xc9: {  	s24 =	sadd.s32 s20, s5;
	s20 =	smov.u32 s23;
	[sflag:s18] =	ssyncadd.s32 $0xFFFFE000  }
0xca: {  	[hbm4b:s24+s2] =	stream.linear.scatter [tilespmem:s11], [sflag:$0x2], $0x8000, $0x38;
	[tilespmem:$0x8400] =	vst v63  }
0xcb: {  	_ =	swait.ge [sflag:s7], $0x8000  }
0xcc: {  	s21 =	sadd.s32 $0x800, s21;
	[sflag:s7] =	ssyncset.done $0x0  }
0xcd: {  	s22 =	sadd.s32 $0xFFFFFC00, s21;
	[sflag:s7] =	ssyncadd.s32 $0xFFFF8000  }
0xce: {  	[tilespmem:s2], [sflag:$0x2] =	stream.linear.gather [hbm4b:s22+s2], $0x100, $0x38;
	[tilespmem:$0x8400] =	vst v63  }
0xcf: {  	_ =	swait.ge [sflag:s7], $0x100  }
0xd0: {  	[sflag:s7] =	ssyncset.done $0x0  }
0xd1: {  	[sflag:s7] =	ssyncadd.s32 $0xFFFFFF00  }
0xd2: {  	[tilespmem:s8], [sflag:$0x2] =	stream.linear.gather [hbm4b:s21+s2], $0x100, $0x38;
	[tilespmem:$0x8400] =	vst v63  }
0xd3: {  	_ =	swait.ge [sflag:s7], $0x100  }
0xd4: {  	[sflag:s7] =	ssyncset.done $0x0  }
0xd5: {  	[sflag:s7] =	ssyncadd.s32 $0xFFFFFF00  }
0xd6: {  	v32 =	vld [tilespmem:$0x0];
	_ =	sdelay $0x4  }
0xd7: {  	[tilespmem:v0+s9+$0x0] =	vst.idx.msk $0xffff, v32  }
0xd8: {  	v32 =	vld [tilespmem:$0x100];
	_ =	sdelay $0x4  }
0xd9: {  	[tilespmem:v1+s9+$0x0] =	vst.idx.msk $0xffff, v32  }
0xda: {  	v32 =	vld [tilespmem:$0x10];
	_ =	sdelay $0x4  }
0xdb: {  	[tilespmem:v2+s9+$0x0] =	vst.idx.msk $0xffff, v32  }
0xdc: {  	v32 =	vld [tilespmem:$0x110];
	_ =	sdelay $0x4  }
0xdd: {  	[tilespmem:v3+s9+$0x0] =	vst.idx.msk $0xffff, v32  }
0xde: {  	v32 =	vld [tilespmem:$0x20];
	_ =	sdelay $0x4  }
0xdf: {  	[tilespmem:v4+s9+$0x0] =	vst.idx.msk $0xffff, v32  }
0xe0: {  	v32 =	vld [tilespmem:$0x120];
	_ =	sdelay $0x4  }
0xe1: {  	[tilespmem:v5+s9+$0x0] =	vst.idx.msk $0xffff, v32  }
0xe2: {  	v32 =	vld [tilespmem:$0x30];
	_ =	sdelay $0x4  }
0xe3: {  	[tilespmem:v6+s9+$0x0] =	vst.idx.msk $0xffff, v32  }
0xe4: {  	v32 =	vld [tilespmem:$0x130];
	_ =	sdelay $0x4  }
0xe5: {  	[tilespmem:v7+s9+$0x0] =	vst.idx.msk $0xffff, v32  }
0xe6: {  	v32 =	vld [tilespmem:$0x40];
	_ =	sdelay $0x4  }
0xe7: {  	[tilespmem:v8+s9+$0x0] =	vst.idx.msk $0xffff, v32  }
0xe8: {  	v32 =	vld [tilespmem:$0x140];
	_ =	sdelay $0x4  }
0xe9: {  	[tilespmem:v9+s9+$0x0] =	vst.idx.msk $0xffff, v32  }
0xea: {  	v32 =	vld [tilespmem:$0x50];
	_ =	sdelay $0x4  }
0xeb: {  	[tilespmem:v10+s9+$0x0] =	vst.idx.msk $0xffff, v32  }
0xec: {  	v32 =	vld [tilespmem:$0x150];
	_ =	sdelay $0x4  }
0xed: {  	[tilespmem:v11+s9+$0x0] =	vst.idx.msk $0xffff, v32  }
0xee: {  	v32 =	vld [tilespmem:$0x60];
	_ =	sdelay $0x4  }
0xef: {  	[tilespmem:v12+s9+$0x0] =	vst.idx.msk $0xffff, v32  }
0xf0: {  	v32 =	vld [tilespmem:$0x160];
	_ =	sdelay $0x4  }
0xf1: {  	[tilespmem:v13+s9+$0x0] =	vst.idx.msk $0xffff, v32  }
0xf2: {  	v32 =	vld [tilespmem:$0x70];
	_ =	sdelay $0x4  }
0xf3: {  	[tilespmem:v14+s9+$0x0] =	vst.idx.msk $0xffff, v32  }
0xf4: {  	v32 =	vld [tilespmem:$0x170];
	_ =	sdelay $0x4  }
0xf5: {  	[tilespmem:v15+s9+$0x0] =	vst.idx.msk $0xffff, v32  }
0xf6: {  	v32 =	vld [tilespmem:$0x80];
	_ =	sdelay $0x4  }
0xf7: {  	[tilespmem:v16+s9+$0x0] =	vst.idx.msk $0xffff, v32  }
0xf8: {  	v32 =	vld [tilespmem:$0x180];
	_ =	sdelay $0x4  }
0xf9: {  	[tilespmem:v17+s9+$0x0] =	vst.idx.msk $0xffff, v32  }
0xfa: {  	v32 =	vld [tilespmem:$0x90];
	_ =	sdelay $0x4  }
0xfb: {  	[tilespmem:v18+s9+$0x0] =	vst.idx.msk $0xffff, v32  }
0xfc: {  	v32 =	vld [tilespmem:$0x190];
	_ =	sdelay $0x4  }
0xfd: {  	[tilespmem:v19+s9+$0x0] =	vst.idx.msk $0xffff, v32  }
0xfe: {  	v32 =	vld [tilespmem:$0xA0];
	_ =	sdelay $0x4  }
0xff: {  	[tilespmem:v20+s9+$0x0] =	vst.idx.msk $0xffff, v32  }
0x100: {  	v32 =	vld [tilespmem:$0x1A0];
	_ =	sdelay $0x4  }
0x101: {  	[tilespmem:v21+s9+$0x0] =	vst.idx.msk $0xffff, v32  }
0x102: {  	v32 =	vld [tilespmem:$0xB0];
	_ =	sdelay $0x4  }
0x103: {  	[tilespmem:v22+s9+$0x0] =	vst.idx.msk $0xffff, v32  }
0x104: {  	v32 =	vld [tilespmem:$0x1B0];
	_ =	sdelay $0x4  }
0x105: {  	[tilespmem:v23+s9+$0x0] =	vst.idx.msk $0xffff, v32  }
0x106: {  	v32 =	vld [tilespmem:$0xC0];
	_ =	sdelay $0x4  }
0x107: {  	[tilespmem:v24+s9+$0x0] =	vst.idx.msk $0xffff, v32  }
0x108: {  	v32 =	vld [tilespmem:$0x1C0];
	_ =	sdelay $0x4  }
0x109: {  	[tilespmem:v25+s9+$0x0] =	vst.idx.msk $0xffff, v32  }
0x10a: {  	v32 =	vld [tilespmem:$0xD0];
	_ =	sdelay $0x4  }
0x10b: {  	[tilespmem:v26+s9+$0x0] =	vst.idx.msk $0xffff, v32  }
0x10c: {  	v32 =	vld [tilespmem:$0x1D0];
	_ =	sdelay $0x4  }
0x10d: {  	[tilespmem:v27+s9+$0x0] =	vst.idx.msk $0xffff, v32  }
0x10e: {  	v32 =	vld [tilespmem:$0xE0];
	_ =	sdelay $0x4  }
0x10f: {  	[tilespmem:v28+s9+$0x0] =	vst.idx.msk $0xffff, v32  }
0x110: {  	v32 =	vld [tilespmem:$0x1E0];
	_ =	sdelay $0x4  }
0x111: {  	[tilespmem:v29+s9+$0x0] =	vst.idx.msk $0xffff, v32  }
0x112: {  	v32 =	vld [tilespmem:$0xF0];
	_ =	sdelay $0x4  }
0x113: {  	[tilespmem:v30+s9+$0x0] =	vst.idx.msk $0xffff, v32  }
0x114: {  	v32 =	vld [tilespmem:$0x1F0];
	_ =	sdelay $0x4  }
0x115: {  	[tilespmem:v31+s9+$0x0] =	vst.idx.msk $0xffff, v32  }
0x116: {  	[tilespmem:s11], [sflag:$0x1] =	stream.indirect.gather [hbm4b:s3+s10], $0x40, s9, s10, $0xb8;
	[tilespmem:$0x8400] =	vst v63  }
0x117: {  	_ = 	snop  }
0x118: {  	[tilespmem:s13], [sflag:$0x1] =	stream.indirect.gather [hbm4b:s3+s10], $0x40, s12, s10, $0xb8;
	[tilespmem:$0x8400] =	vst v63  }
0x119: {  	_ = 	snop  }
0x11a: {  	[tilespmem:s15], [sflag:$0x1] =	stream.indirect.gather [hbm4b:s3+s10], $0x40, s14, s10, $0xb8;
	[tilespmem:$0x8400] =	vst v63  }
0x11b: {  	_ = 	snop  }
0x11c: {  	[tilespmem:s17], [sflag:$0x1] =	stream.indirect.gather [hbm4b:s3+s10], $0x40, s16, s10, $0xb8;
	[tilespmem:$0x8400] =	vst v63  }
0x11d: {  	_ =	swait.ge [sflag:s18], $0x2000  }
0x11e: {  	[sflag:s18] =	ssyncset.done $0x0  }
0x11f: {  	[sflag:s18] =	ssyncadd.s32 $0xFFFFE000  }
0x120: {  	_ =	swait.ge [sflag:s18], $0x2000  }
0x121: {  	[sflag:s18] =	ssyncset.done $0x0  }
0x122: {  	[sflag:s18] =	ssyncadd.s32 $0xFFFFE000  }
0x123: {  	_ =	swait.ge [sflag:s18], $0x2000  }
0x124: {  	[sflag:s18] =	ssyncset.done $0x0  }
0x125: {  	[sflag:s18] =	ssyncadd.s32 $0xFFFFE000  }
0x126: {  	s19 =	sadd.s32 $0x1, s19;
	_ =	swait.ge [sflag:s18], $0x2000  }
0x127: {  	p0 =	sne.s32 s19, s4;
	[sflag:s18] =	ssyncset.done $0x0  }
.Ltmp1:
0x128: {  	s20 =	sadd.s32 s20, s5;
	[sflag:s18] =	ssyncadd.s32 $0xFFFFE000;
	(pc) =	sbr.rel @p0 .LBB2_1-.Ltmp1, $4  }
0x129: {  	[hbm4b:s20+s2] =	stream.linear.scatter [tilespmem:s11], [sflag:$0x2], $0x8000, $0x38;
	[tilespmem:$0x8400] =	vst v63  }
0x12a: {  	_ =	swait.ge [sflag:s7], $0x8000  }
0x12b: {  	[sflag:s7] =	ssyncset.done $0x0  }
0x12c: {  	[sflag:s7] =	ssyncadd.s32 $0xFFFF8000  }
0x12d: {  	_ =	sfence.sel $0x180000  }
0x12e: {  	[bflag:$0x0] =	sbarrier.arrive $0xFFFF  }
0x12f: {  	p0 =	sne.s32 s0, $0x0;
	_ =	strace $0x9000004A  }
0x130: {  	s0 =	sadd.s32 @!p0 $0x100000, s1;
	[bflag:$0x2] =	sbarrier.arrive $0xFFFF  }
0x131: {  	[sflag:s0] =	ssyncadd.tile.s32 @!p0 $0x1;
	_ =	shalt  }
.Lfunc_end2:
_tile_overlayer_lowered:
.L_overlay_start_2:
0x132: {  	(tag) =	ssettag $0x2  }
0x133: {  	s0 =	rddreg [dreg:$0x0];
	s2 =	stileid.u32  }
0x134: {  	s1 =	rddreg [dreg:$0x1];
	p0 =	sne.s32 s2, $0x0  }
0x135: {  	s3 =	rddreg [dreg:$0x2];
	[bflag:$0x3] =	sbarrier.arrive $0xFFFF;
	s2 =	simm.s32 @!p0 $0x1C02  }
0x136: {  	[timem:s3], [sflag:s2] =	dma.local @!p0 [hbm:s0], s1  }
0x137: {  	s0 =	simm.s32 @!p0 $0x2  }
0x138: {  	_ =	swait.ge @!p0 [sflag:s0], s1  }
0x139: {  	s1 =	ssub.s32 @!p0 $0x0, s1;
	[sflag:s0] =	ssyncset.done @!p0 $0x0  }
0x13a: {  	[sflag:s0] =	ssyncadd.s32 @!p0 s1  }
0x13b: {  	[bflag:$0x3] =	sbarrier.arrive $0xFFFF  }
0x13c: {  	_ =	shalt  }

</sc_bundles>
